<compile_context>
chip_gen: v7x
topology: tpu7x:2x2x1
jax: 0.10.2.dev20260603
libtpu: 0.0.44.dev20260713+nightly
codegen_flags: <defaults>
</compile_context>

<pallas_src>
import functools

import jax
import jax.numpy as jnp
from jax import lax
from jax.experimental import pallas as pl
from jax.experimental.pallas import tpu as pltpu
from jax.experimental.pallas import tpu_sc as plsc

_NUM_CLASSES = 150
_N = 8
_S = 512
_HW = _S * _S
_TOTAL = _N * _HW
_NC, _NS = 2, 16
_E = _TOTAL // (_NC * _NS)
_ROWS = 32
_CH = _ROWS * _S
_NCHUNK = _E // _CH
_L = 16
_BINS = 160
_STRIDE = 161
_HSZ = _L * _STRIDE
_RED = 3 * _BINS

_mesh = plsc.VectorSubcoreMesh(core_axis_name="c", subcore_axis_name="s")


@functools.partial(
    pl.kernel,
    out_type=jax.ShapeDtypeStruct((_NC * _L,), jnp.float32),
    mesh=_mesh,
    compiler_params=pltpu.CompilerParams(
        needs_layout_passes=False, use_tc_tiling_on_sc=True),
    scratch_types=[
        pltpu.VMEM((_ROWS, _S), jnp.int32),
        pltpu.VMEM((_ROWS, _S), jnp.int32),
        pltpu.VMEM((_ROWS, _S), jnp.int32),
        pltpu.VMEM((_ROWS, _S), jnp.int32),
        pltpu.VMEM((_HSZ,), jnp.int32),
        pltpu.VMEM((_HSZ,), jnp.int32),
        pltpu.VMEM((_RED,), jnp.int32),
        pltpu.VMEM_SHARED((_NS * _RED,), jnp.int32),
        pltpu.VMEM((4 * _RED,), jnp.int32),
        pltpu.VMEM_SHARED((4 * _L,), jnp.float32),
        pltpu.VMEM((4 * _L,), jnp.float32),
        pltpu.VMEM((_L,), jnp.float32),
        pltpu.SemaphoreType.DMA,
        pltpu.SemaphoreType.DMA,
        pltpu.SemaphoreType.DMA,
        pltpu.SemaphoreType.DMA,
    ],
)
def _dice_hist_sc(yp_hbm, yt_hbm, out_hbm, ypb0, ypb1, ytb0, ytb1, hc, ht,
                  red, shared, comb, terms, termsl, outv, sp0, sp1, st0, st1):
    c = lax.axis_index("c")
    s = lax.axis_index("s")
    g = c * _NS + s
    n = g >> 2
    row0 = (g & 3) * (_S // 4)

    lane = lax.iota(jnp.int32, _L)
    lane_off = lane * _STRIDE
    ones = jnp.ones((_L,), jnp.int32)
    zeros = jnp.zeros((_L,), jnp.int32)

    bufs = ((ypb0, ytb0, sp0, st0), (ypb1, ytb1, sp1, st1))

    def _issue(k):
        ypb, ytb, sp, st = bufs[k % 2]
        r = row0 + k * _ROWS
        return (
            pltpu.async_copy(yp_hbm.at[n, 0, pl.ds(r, _ROWS), :], ypb, sp),
            pltpu.async_copy(yt_hbm.at[n, 0, pl.ds(r, _ROWS), :], ytb, st))

    pending = _issue(0)

    @plsc.parallel_loop(0, _HSZ // _L, unroll=8)
    def _zero(i):
        hc[pl.ds(i * _L, _L)] = zeros
        ht[pl.ds(i * _L, _L)] = zeros

    for k in range(_NCHUNK):
        ypb, ytb, _, _ = bufs[k % 2]
        hp_, ht_ = pending
        hp_.wait()
        ht_.wait()
        if k + 1 < _NCHUNK:
            pending = _issue(k + 1)

        @plsc.parallel_loop(0, _CH // _L, unroll=8)
        def _body(i):
            r = i >> 5
            col = (i & 31) * _L
            ypv = ypb[r, pl.ds(col, _L)]
            ytv = ytb[r, pl.ds(col, _L)]
            val = jnp.where(ypv == ytv, jnp.int32(0x10001), jnp.int32(1))
            plsc.addupdate_scatter(hc, [ypv + lane_off], val)
            plsc.addupdate_scatter(ht, [ytv + lane_off], ones)

    def _reduce_chunk(chunk, _):
        o = chunk * _L
        vp = hc[pl.ds(o, _L)]
        cp0 = vp & 0xFFFF
        ci0 = lax.shift_right_logical(vp, 16)
        ct0 = ht[pl.ds(o, _L)]

        def _acc(r, carry):
            cp, ct, ci = carry
            v = hc[pl.ds(r * _STRIDE + o, _L)]
            cp = cp + (v & 0xFFFF)
            ci = ci + lax.shift_right_logical(v, 16)
            ct = ct + ht[pl.ds(r * _STRIDE + o, _L)]
            return cp, ct, ci
        cp, ct, ci = lax.fori_loop(1, _L, _acc, (cp0, ct0, ci0))
        red[pl.ds(o, _L)] = cp
        red[pl.ds(_BINS + o, _L)] = ct
        red[pl.ds(2 * _BINS + o, _L)] = ci
        return 0
    lax.fori_loop(0, _BINS // _L, _reduce_chunk, 0)

    pltpu.sync_copy(red, shared.at[pl.ds(s * _RED, _RED)])
    plsc.subcore_barrier()

    @pl.when(s < 4)
    def _combine():
        pltpu.sync_copy(shared.at[pl.ds(4 * s * _RED, 4 * _RED)], comb)
        fzeros = jnp.zeros((_L,), jnp.float32)

        def _chunk(chunk, carry):
            terms_acc, ct_acc = carry
            o = chunk * _L

            def _quarter(r, cnts):
                cp, ct, ci = cnts
                row = r * _RED + o
                cp = cp + comb[pl.ds(row, _L)]
                ct = ct + comb[pl.ds(row + _BINS, _L)]
                ci = ci + comb[pl.ds(row + 2 * _BINS, _L)]
                return cp, ct, ci
            cp, ct, ci = lax.fori_loop(
                0, 4, _quarter, (zeros, zeros, zeros))
            cpf = cp.astype(jnp.float32)
            ctf = ct.astype(jnp.float32)
            cif = ci.astype(jnp.float32)
            denom = cpf + ctf
            gidx = lane + o
            fg = gidx >= 1
            nz = (denom > 0.0) & fg
            safe = jnp.where(nz, denom, 1.0)
            terms_acc = terms_acc + jnp.where(
                nz, 2.0 * ctf * cif / safe, 0.0)
            ct_acc = ct_acc + jnp.where(fg, ctf, 0.0)
            return terms_acc, ct_acc
        terms_acc, ct_acc = lax.fori_loop(
            0, _BINS // _L, _chunk, (fzeros, fzeros))
        inner = jnp.full((_L,), jnp.sum(terms_acc), jnp.float32)
        ctsum = jnp.full((_L,), jnp.sum(ct_acc), jnp.float32)
        outv[...] = inner / (ctsum * float(_N))
        pltpu.sync_copy(outv, terms.at[pl.ds(s * _L, _L)])

    plsc.subcore_barrier()

    @pl.when(s == 0)
    def _final():
        pltpu.sync_copy(terms, termsl)
        total = (termsl[pl.ds(0, _L)] + termsl[pl.ds(_L, _L)]
                 + termsl[pl.ds(2 * _L, _L)] + termsl[pl.ds(3 * _L, _L)])
        outv[...] = total
        pltpu.sync_copy(outv, out_hbm.at[pl.ds(c * _L, _L)])


@jax.jit
def kernel(y_pred, y_true):
    part = _dice_hist_sc(y_pred, y_true)
    return (1.0 - part[0] - part[_L]).astype(jnp.float32)

# --- scband reference (transcript-rebuilt; emitter-appended) ---
"""Pipeline reference for scband-dice-from-labels-loss-62173946577085 (READ-ONLY COPY).

The authoritative reference and input builder live on the scoring server;
editing this copy changes nothing except your own understanding.
"""

import jax, jax.numpy as jnp
import numpy as np

NUM_CLASSES = 150
WEIGH_BY_CLASS_SIZE = True
IGNORE_BACKGROUND = True


def setup_inputs(seed: int = 0) -> dict:
    key = jax.random.key(seed)
    k1, k2 = jax.random.split(key)
    y_pred = jax.random.randint(k1, (8, 1, 512, 512), 0, NUM_CLASSES, dtype=jnp.int32)
    y_true = jax.random.randint(k2, (8, 1, 512, 512), 0, NUM_CLASSES, dtype=jnp.int32)
    return {"y_pred": y_pred, "y_true": y_true}


def reference(y_pred, y_true):
    n, c = y_true.shape[:2]
    assert c == 1
    yp = y_pred.reshape(n, -1)
    yt = y_true.reshape(n, -1)
    c_pred = jnp.stack([jnp.bincount(i, length=NUM_CLASSES) for i in yp])
    c_true = jnp.stack([jnp.bincount(i, length=NUM_CLASSES) for i in yt])
    intersection = jnp.stack([
        jnp.bincount(i, weights=(i == j).astype(jnp.float32), length=NUM_CLASSES)
        for i, j in zip(yp, yt)
    ])
    denom = c_pred + c_true
    if IGNORE_BACKGROUND:
        intersection = intersection[:, 1:]
        denom = denom[:, 1:]
        c_pred = c_pred[:, 1:]
        c_true = c_true[:, 1:]
    nonzero = denom > 0
    safe_denom = jnp.where(nonzero, denom, 1)
    if WEIGH_BY_CLASS_SIZE:
        weight = c_true / c_true.sum(-1, keepdims=True) / n
        terms = jnp.where(nonzero, weight * 2 * intersection / safe_denom, 0.0)
        return (1.0 - jnp.sum(terms)).astype(jnp.float32)
    else:
        terms = jnp.where(nonzero, 2 * intersection / safe_denom, 0.0)
        count = jnp.sum(nonzero)
        return (1.0 - jnp.sum(terms) / count).astype(jnp.float32)

if __name__ == "__main__":
    import jax
    _d = setup_inputs()
    print(jax.jit(kernel)(*tuple(_d.values())))

</pallas_src>

<mosaic_0001>
#map = affine_map<(d0, d1) -> (0, 0, 0, 0)>
#map1 = affine_map<(d0, d1) -> (0)>
module attributes {stable_mosaic.version = 14 : i64} {
  func.func @_dice_hist_sc(%arg0: i32, %arg1: i32, %arg2: memref<8x1x512x512xi32, #tpu.memory_space<hbm>>, %arg3: memref<8x1x512x512xi32, #tpu.memory_space<hbm>>, %arg4: memref<32xf32, #tpu.memory_space<hbm>>, %arg5: memref<32x512xi32, #tpu.memory_space<vmem>>, %arg6: memref<32x512xi32, #tpu.memory_space<vmem>>, %arg7: memref<32x512xi32, #tpu.memory_space<vmem>>, %arg8: memref<32x512xi32, #tpu.memory_space<vmem>>, %arg9: memref<2576xi32, #tpu.memory_space<vmem>>, %arg10: memref<2576xi32, #tpu.memory_space<vmem>>, %arg11: memref<480xi32, #tpu.memory_space<vmem>>, %arg12: memref<7680xi32, #tpu.memory_space<vmem_shared>>, %arg13: memref<1920xi32, #tpu.memory_space<vmem>>, %arg14: memref<64xf32, #tpu.memory_space<vmem_shared>>, %arg15: memref<64xf32, #tpu.memory_space<vmem>>, %arg16: memref<16xf32, #tpu.memory_space<vmem>>, %arg17: memref<!tpu.dma_semaphore, #tpu.memory_space<semaphore_mem>>, %arg18: memref<!tpu.dma_semaphore, #tpu.memory_space<semaphore_mem>>, %arg19: memref<!tpu.dma_semaphore, #tpu.memory_space<semaphore_mem>>, %arg20: memref<!tpu.dma_semaphore, #tpu.memory_space<semaphore_mem>>) attributes {dimension_semantics = [#tpu.dimension_semantics<core_parallel>, #tpu.dimension_semantics<subcore_parallel>], iteration_bounds = array<i64: 2, 16>, scalar_prefetch = 0 : i64, scratch_operands = 16 : i64, tpu.core_type = #tpu.core_type<sc_vector_subcore>, window_params = [{transform_indices = #map}, {transform_indices = #map}, {transform_indices = #map1}]} {
    %mul3A = arith.constant 16 : i32
    %mul3A_0 = arith.muli %arg0, %mul3A : i32
    %add3A = arith.addi %mul3A_0, %arg1 : i32
    %shift_right_arithmetic3A = arith.constant 2 : i32
    %shift_right_arithmetic3A_1 = arith.shrsi %add3A, %shift_right_arithmetic3A : i32
    %and3A = arith.constant 3 : i32
    %and3A_2 = arith.andi %add3A, %and3A : i32
    %mul3A_3 = arith.constant 128 : i32
    %mul3A_4 = arith.muli %and3A_2, %mul3A_3 : i32
    %iota3A = tpu.iota {dimensions = array<i32: 0>} : vector<16xi32>
    %mul3A_5 = arith.constant 161 : i32
    %mul3A_6 = vector.broadcast %mul3A_5 : i32 to vector<16xi32>
    %mul3A_7 = arith.muli %iota3A, %mul3A_6 : vector<16xi32>
    %broadcast_in_dim3A = arith.constant 1 : i32
    %broadcast_in_dim3A_8 = vector.broadcast %broadcast_in_dim3A : i32 to vector<16xi32>
    %broadcast_in_dim3A_9 = arith.constant 0 : i32
    %broadcast_in_dim3A_10 = vector.broadcast %broadcast_in_dim3A_9 : i32 to vector<16xi32>
    %add3A_11 = arith.constant 0 : i32
    %add3A_12 = arith.addi %mul3A_4, %add3A_11 : i32
    %dma_start3A = arith.constant 0 : i32
    %dma_start3A_13 = arith.constant 0 : i32
    %dma_start3A_14 = tpu.memref_slice %arg2[%shift_right_arithmetic3A_1, %dma_start3A, %add3A_12, %dma_start3A_13] : memref<8x1x512x512xi32, #tpu.memory_space<hbm>> -> memref<1x1x32x512xi32, #tpu.memory_space<hbm>>
    %dma_start3A_15 = tpu.memref_squeeze %dma_start3A_14 : memref<1x1x32x512xi32, #tpu.memory_space<hbm>> -> memref<32x512xi32, #tpu.memory_space<hbm>>
    %dma_start3A_16 = arith.constant 0 : i32
    %dma_start3A_17 = tpu.memref_slice %arg2[%shift_right_arithmetic3A_1, %dma_start3A, %add3A_12, %dma_start3A_16] : memref<8x1x512x512xi32, #tpu.memory_space<hbm>> -> memref<1x1x32x512xi32, #tpu.memory_space<hbm>>
    %dma_start3A_18 = tpu.memref_squeeze %dma_start3A_17 : memref<1x1x32x512xi32, #tpu.memory_space<hbm>> -> memref<32x512xi32, #tpu.memory_space<hbm>>
    tpu.enqueue_dma source(%dma_start3A_18 : memref<32x512xi32, #tpu.memory_space<hbm>>) target(%arg5 : memref<32x512xi32, #tpu.memory_space<vmem>>) target_semaphore(%arg17 : memref<!tpu.dma_semaphore, #tpu.memory_space<semaphore_mem>>)
    %dma_start3A_19 = arith.constant 0 : i32
    %dma_start3A_20 = arith.constant 0 : i32
    %dma_start3A_21 = tpu.memref_slice %arg3[%shift_right_arithmetic3A_1, %dma_start3A_19, %add3A_12, %dma_start3A_20] : memref<8x1x512x512xi32, #tpu.memory_space<hbm>> -> memref<1x1x32x512xi32, #tpu.memory_space<hbm>>
    %dma_start3A_22 = tpu.memref_squeeze %dma_start3A_21 : memref<1x1x32x512xi32, #tpu.memory_space<hbm>> -> memref<32x512xi32, #tpu.memory_space<hbm>>
    %dma_start3A_23 = arith.constant 0 : i32
    %dma_start3A_24 = tpu.memref_slice %arg3[%shift_right_arithmetic3A_1, %dma_start3A_19, %add3A_12, %dma_start3A_23] : memref<8x1x512x512xi32, #tpu.memory_space<hbm>> -> memref<1x1x32x512xi32, #tpu.memory_space<hbm>>
    %dma_start3A_25 = tpu.memref_squeeze %dma_start3A_24 : memref<1x1x32x512xi32, #tpu.memory_space<hbm>> -> memref<32x512xi32, #tpu.memory_space<hbm>>
    tpu.enqueue_dma source(%dma_start3A_25 : memref<32x512xi32, #tpu.memory_space<hbm>>) target(%arg7 : memref<32x512xi32, #tpu.memory_space<vmem>>) target_semaphore(%arg19 : memref<!tpu.dma_semaphore, #tpu.memory_space<semaphore_mem>>)
    %parallel_loop3A = arith.constant 0 : i32
    %parallel_loop3A_26 = arith.constant 161 : i32
    %parallel_loop3A_27 = arith.constant 1 : i32
    scf.for %parallel_loop3A_158 = %parallel_loop3A to %parallel_loop3A_26 step %parallel_loop3A_27  : i32 {
      %parallel_loop3A_159 = arith.constant 16 : i32
      %parallel_loop3A_160 = arith.muli %parallel_loop3A_158, %parallel_loop3A_159 : i32
      %parallel_loop3A_161 = arith.index_cast %parallel_loop3A_160 : i32 to index
      %parallel_loop3A_162 = tpu.vector_load %arg9[%parallel_loop3A_161] {strides = array<i32>} : memref<2576xi32, #tpu.memory_space<vmem>>, vector<16xi32>,
      tpu.vector_store %arg9[%parallel_loop3A_161], %broadcast_in_dim3A_10 {strides = array<i32>} : memref<2576xi32, #tpu.memory_space<vmem>>, vector<16xi32>,
      %parallel_loop3A_163 = arith.constant 16 : i32
      %parallel_loop3A_164 = arith.muli %parallel_loop3A_158, %parallel_loop3A_163 : i32
      %parallel_loop3A_165 = arith.index_cast %parallel_loop3A_164 : i32 to index
      %parallel_loop3A_166 = tpu.vector_load %arg10[%parallel_loop3A_165] {strides = array<i32>} : memref<2576xi32, #tpu.memory_space<vmem>>, vector<16xi32>,
      tpu.vector_store %arg10[%parallel_loop3A_165], %broadcast_in_dim3A_10 {strides = array<i32>} : memref<2576xi32, #tpu.memory_space<vmem>>, vector<16xi32>,
    } {sc.loop_unroll_factor = 8 : i64, sc.parallel_access}
    %dma_wait3A = arith.constant 0 : i32
    %dma_wait3A_28 = arith.constant 0 : i32
    %dma_wait3A_29 = tpu.memref_slice %arg2[%shift_right_arithmetic3A_1, %dma_wait3A, %add3A_12, %dma_wait3A_28] : memref<8x1x512x512xi32, #tpu.memory_space<hbm>> -> memref<1x1x32x512xi32, #tpu.memory_space<hbm>>
    %dma_wait3A_30 = tpu.memref_squeeze %dma_wait3A_29 : memref<1x1x32x512xi32, #tpu.memory_space<hbm>> -> memref<32x512xi32, #tpu.memory_space<hbm>>
    %dma_wait3A_31 = arith.constant 0 : i32
    %dma_wait3A_32 = tpu.memref_slice %arg2[%shift_right_arithmetic3A_1, %dma_wait3A, %add3A_12, %dma_wait3A_31] : memref<8x1x512x512xi32, #tpu.memory_space<hbm>> -> memref<1x1x32x512xi32, #tpu.memory_space<hbm>>
    %dma_wait3A_33 = tpu.memref_squeeze %dma_wait3A_32 : memref<1x1x32x512xi32, #tpu.memory_space<hbm>> -> memref<32x512xi32, #tpu.memory_space<hbm>>
    tpu.wait_dma2 semaphore(%arg17 : memref<!tpu.dma_semaphore, #tpu.memory_space<semaphore_mem>>) src(%dma_wait3A_33 : memref<32x512xi32, #tpu.memory_space<hbm>>) dst(%arg5 : memref<32x512xi32, #tpu.memory_space<vmem>>)
    %dma_wait3A_34 = arith.constant 0 : i32
    %dma_wait3A_35 = arith.constant 0 : i32
    %dma_wait3A_36 = tpu.memref_slice %arg3[%shift_right_arithmetic3A_1, %dma_wait3A_34, %add3A_12, %dma_wait3A_35] : memref<8x1x512x512xi32, #tpu.memory_space<hbm>> -> memref<1x1x32x512xi32, #tpu.memory_space<hbm>>
    %dma_wait3A_37 = tpu.memref_squeeze %dma_wait3A_36 : memref<1x1x32x512xi32, #tpu.memory_space<hbm>> -> memref<32x512xi32, #tpu.memory_space<hbm>>
    %dma_wait3A_38 = arith.constant 0 : i32
    %dma_wait3A_39 = tpu.memref_slice %arg3[%shift_right_arithmetic3A_1, %dma_wait3A_34, %add3A_12, %dma_wait3A_38] : memref<8x1x512x512xi32, #tpu.memory_space<hbm>> -> memref<1x1x32x512xi32, #tpu.memory_space<hbm>>
    %dma_wait3A_40 = tpu.memref_squeeze %dma_wait3A_39 : memref<1x1x32x512xi32, #tpu.memory_space<hbm>> -> memref<32x512xi32, #tpu.memory_space<hbm>>
    tpu.wait_dma2 semaphore(%arg19 : memref<!tpu.dma_semaphore, #tpu.memory_space<semaphore_mem>>) src(%dma_wait3A_40 : memref<32x512xi32, #tpu.memory_space<hbm>>) dst(%arg7 : memref<32x512xi32, #tpu.memory_space<vmem>>)
    %add3A_41 = arith.constant 32 : i32
    %add3A_42 = arith.addi %mul3A_4, %add3A_41 : i32
    %dma_start3A_43 = arith.constant 0 : i32
    %dma_start3A_44 = arith.constant 0 : i32
    %dma_start3A_45 = tpu.memref_slice %arg2[%shift_right_arithmetic3A_1, %dma_start3A_43, %add3A_42, %dma_start3A_44] : memref<8x1x512x512xi32, #tpu.memory_space<hbm>> -> memref<1x1x32x512xi32, #tpu.memory_space<hbm>>
    %dma_start3A_46 = tpu.memref_squeeze %dma_start3A_45 : memref<1x1x32x512xi32, #tpu.memory_space<hbm>> -> memref<32x512xi32, #tpu.memory_space<hbm>>
    %dma_start3A_47 = arith.constant 0 : i32
    %dma_start3A_48 = tpu.memref_slice %arg2[%shift_right_arithmetic3A_1, %dma_start3A_43, %add3A_42, %dma_start3A_47] : memref<8x1x512x512xi32, #tpu.memory_space<hbm>> -> memref<1x1x32x512xi32, #tpu.memory_space<hbm>>
    %dma_start3A_49 = tpu.memref_squeeze %dma_start3A_48 : memref<1x1x32x512xi32, #tpu.memory_space<hbm>> -> memref<32x512xi32, #tpu.memory_space<hbm>>
    tpu.enqueue_dma source(%dma_start3A_49 : memref<32x512xi32, #tpu.memory_space<hbm>>) target(%arg6 : memref<32x512xi32, #tpu.memory_space<vmem>>) target_semaphore(%arg18 : memref<!tpu.dma_semaphore, #tpu.memory_space<semaphore_mem>>)
    %dma_start3A_50 = arith.constant 0 : i32
    %dma_start3A_51 = arith.constant 0 : i32
    %dma_start3A_52 = tpu.memref_slice %arg3[%shift_right_arithmetic3A_1, %dma_start3A_50, %add3A_42, %dma_start3A_51] : memref<8x1x512x512xi32, #tpu.memory_space<hbm>> -> memref<1x1x32x512xi32, #tpu.memory_space<hbm>>
    %dma_start3A_53 = tpu.memref_squeeze %dma_start3A_52 : memref<1x1x32x512xi32, #tpu.memory_space<hbm>> -> memref<32x512xi32, #tpu.memory_space<hbm>>
    %dma_start3A_54 = arith.constant 0 : i32
    %dma_start3A_55 = tpu.memref_slice %arg3[%shift_right_arithmetic3A_1, %dma_start3A_50, %add3A_42, %dma_start3A_54] : memref<8x1x512x512xi32, #tpu.memory_space<hbm>> -> memref<1x1x32x512xi32, #tpu.memory_space<hbm>>
    %dma_start3A_56 = tpu.memref_squeeze %dma_start3A_55 : memref<1x1x32x512xi32, #tpu.memory_space<hbm>> -> memref<32x512xi32, #tpu.memory_space<hbm>>
    tpu.enqueue_dma source(%dma_start3A_56 : memref<32x512xi32, #tpu.memory_space<hbm>>) target(%arg8 : memref<32x512xi32, #tpu.memory_space<vmem>>) target_semaphore(%arg20 : memref<!tpu.dma_semaphore, #tpu.memory_space<semaphore_mem>>)
    %parallel_loop3A_57 = arith.constant 0 : i32
    %parallel_loop3A_58 = arith.constant 1024 : i32
    %parallel_loop3A_59 = arith.constant 1 : i32
    scf.for %parallel_loop3A_158 = %parallel_loop3A_57 to %parallel_loop3A_58 step %parallel_loop3A_59  : i32 {
      %parallel_loop3A_159 = arith.constant 5 : i32
      %parallel_loop3A_160 = arith.shrsi %parallel_loop3A_158, %parallel_loop3A_159 : i32
      %parallel_loop3A_161 = arith.constant 31 : i32
      %parallel_loop3A_162 = arith.andi %parallel_loop3A_158, %parallel_loop3A_161 : i32
      %parallel_loop3A_163 = arith.constant 16 : i32
      %parallel_loop3A_164 = arith.muli %parallel_loop3A_162, %parallel_loop3A_163 : i32
      %parallel_loop3A_165 = arith.index_cast %parallel_loop3A_160 : i32 to index
      %parallel_loop3A_166 = arith.index_cast %parallel_loop3A_164 : i32 to index
      %parallel_loop3A_167 = tpu.vector_load %arg5[%parallel_loop3A_165, %parallel_loop3A_166] {strides = array<i32>} : memref<32x512xi32, #tpu.memory_space<vmem>>, vector<16xi32>,
      %parallel_loop3A_168 = arith.index_cast %parallel_loop3A_160 : i32 to index
      %parallel_loop3A_169 = arith.index_cast %parallel_loop3A_164 : i32 to index
      %parallel_loop3A_170 = tpu.vector_load %arg7[%parallel_loop3A_168, %parallel_loop3A_169] {strides = array<i32>} : memref<32x512xi32, #tpu.memory_space<vmem>>, vector<16xi32>,
      %parallel_loop3A_171 = arith.cmpi eq, %parallel_loop3A_167, %parallel_loop3A_170 : vector<16xi32>
      %parallel_loop3A_172 = arith.constant 65537 : i32
      %parallel_loop3A_173 = arith.constant 1 : i32
      %parallel_loop3A_174 = vector.broadcast %parallel_loop3A_172 : i32 to vector<16xi32>
      %parallel_loop3A_175 = vector.broadcast %parallel_loop3A_173 : i32 to vector<16xi32>
      %parallel_loop3A_176 = arith.select %parallel_loop3A_171, %parallel_loop3A_174, %parallel_loop3A_175 : vector<16xi1>, vector<16xi32>
      %parallel_loop3A_177 = arith.addi %parallel_loop3A_167, %mul3A_7 : vector<16xi32>
      tpu.vector_store_idx %arg9[%parallel_loop3A_177], %parallel_loop3A_176 {add = true} : memref<2576xi32, #tpu.memory_space<vmem>>[vector<16xi32>], vector<16xi32>,
      %parallel_loop3A_178 = arith.addi %parallel_loop3A_170, %mul3A_7 : vector<16xi32>
      tpu.vector_store_idx %arg10[%parallel_loop3A_178], %broadcast_in_dim3A_8 {add = true} : memref<2576xi32, #tpu.memory_space<vmem>>[vector<16xi32>], vector<16xi32>,
    } {sc.loop_unroll_factor = 8 : i64, sc.parallel_access}
    %dma_wait3A_60 = arith.constant 0 : i32
    %dma_wait3A_61 = arith.constant 0 : i32
    %dma_wait3A_62 = tpu.memref_slice %arg2[%shift_right_arithmetic3A_1, %dma_wait3A_60, %add3A_42, %dma_wait3A_61] : memref<8x1x512x512xi32, #tpu.memory_space<hbm>> -> memref<1x1x32x512xi32, #tpu.memory_space<hbm>>
    %dma_wait3A_63 = tpu.memref_squeeze %dma_wait3A_62 : memref<1x1x32x512xi32, #tpu.memory_space<hbm>> -> memref<32x512xi32, #tpu.memory_space<hbm>>
    %dma_wait3A_64 = arith.constant 0 : i32
    %dma_wait3A_65 = tpu.memref_slice %arg2[%shift_right_arithmetic3A_1, %dma_wait3A_60, %add3A_42, %dma_wait3A_64] : memref<8x1x512x512xi32, #tpu.memory_space<hbm>> -> memref<1x1x32x512xi32, #tpu.memory_space<hbm>>
    %dma_wait3A_66 = tpu.memref_squeeze %dma_wait3A_65 : memref<1x1x32x512xi32, #tpu.memory_space<hbm>> -> memref<32x512xi32, #tpu.memory_space<hbm>>
    tpu.wait_dma2 semaphore(%arg18 : memref<!tpu.dma_semaphore, #tpu.memory_space<semaphore_mem>>) src(%dma_wait3A_66 : memref<32x512xi32, #tpu.memory_space<hbm>>) dst(%arg6 : memref<32x512xi32, #tpu.memory_space<vmem>>)
    %dma_wait3A_67 = arith.constant 0 : i32
    %dma_wait3A_68 = arith.constant 0 : i32
    %dma_wait3A_69 = tpu.memref_slice %arg3[%shift_right_arithmetic3A_1, %dma_wait3A_67, %add3A_42, %dma_wait3A_68] : memref<8x1x512x512xi32, #tpu.memory_space<hbm>> -> memref<1x1x32x512xi32, #tpu.memory_space<hbm>>
    %dma_wait3A_70 = tpu.memref_squeeze %dma_wait3A_69 : memref<1x1x32x512xi32, #tpu.memory_space<hbm>> -> memref<32x512xi32, #tpu.memory_space<hbm>>
    %dma_wait3A_71 = arith.constant 0 : i32
    %dma_wait3A_72 = tpu.memref_slice %arg3[%shift_right_arithmetic3A_1, %dma_wait3A_67, %add3A_42, %dma_wait3A_71] : memref<8x1x512x512xi32, #tpu.memory_space<hbm>> -> memref<1x1x32x512xi32, #tpu.memory_space<hbm>>
    %dma_wait3A_73 = tpu.memref_squeeze %dma_wait3A_72 : memref<1x1x32x512xi32, #tpu.memory_space<hbm>> -> memref<32x512xi32, #tpu.memory_space<hbm>>
    tpu.wait_dma2 semaphore(%arg20 : memref<!tpu.dma_semaphore, #tpu.memory_space<semaphore_mem>>) src(%dma_wait3A_73 : memref<32x512xi32, #tpu.memory_space<hbm>>) dst(%arg8 : memref<32x512xi32, #tpu.memory_space<vmem>>)
    %add3A_74 = arith.constant 64 : i32
    %add3A_75 = arith.addi %mul3A_4, %add3A_74 : i32
    %dma_start3A_76 = arith.constant 0 : i32
    %dma_start3A_77 = arith.constant 0 : i32
    %dma_start3A_78 = tpu.memref_slice %arg2[%shift_right_arithmetic3A_1, %dma_start3A_76, %add3A_75, %dma_start3A_77] : memref<8x1x512x512xi32, #tpu.memory_space<hbm>> -> memref<1x1x32x512xi32, #tpu.memory_space<hbm>>
    %dma_start3A_79 = tpu.memref_squeeze %dma_start3A_78 : memref<1x1x32x512xi32, #tpu.memory_space<hbm>> -> memref<32x512xi32, #tpu.memory_space<hbm>>
    %dma_start3A_80 = arith.constant 0 : i32
    %dma_start3A_81 = tpu.memref_slice %arg2[%shift_right_arithmetic3A_1, %dma_start3A_76, %add3A_75, %dma_start3A_80] : memref<8x1x512x512xi32, #tpu.memory_space<hbm>> -> memref<1x1x32x512xi32, #tpu.memory_space<hbm>>
    %dma_start3A_82 = tpu.memref_squeeze %dma_start3A_81 : memref<1x1x32x512xi32, #tpu.memory_space<hbm>> -> memref<32x512xi32, #tpu.memory_space<hbm>>
    tpu.enqueue_dma source(%dma_start3A_82 : memref<32x512xi32, #tpu.memory_space<hbm>>) target(%arg5 : memref<32x512xi32, #tpu.memory_space<vmem>>) target_semaphore(%arg17 : memref<!tpu.dma_semaphore, #tpu.memory_space<semaphore_mem>>)
    %dma_start3A_83 = arith.constant 0 : i32
    %dma_start3A_84 = arith.constant 0 : i32
    %dma_start3A_85 = tpu.memref_slice %arg3[%shift_right_arithmetic3A_1, %dma_start3A_83, %add3A_75, %dma_start3A_84] : memref<8x1x512x512xi32, #tpu.memory_space<hbm>> -> memref<1x1x32x512xi32, #tpu.memory_space<hbm>>
    %dma_start3A_86 = tpu.memref_squeeze %dma_start3A_85 : memref<1x1x32x512xi32, #tpu.memory_space<hbm>> -> memref<32x512xi32, #tpu.memory_space<hbm>>
    %dma_start3A_87 = arith.constant 0 : i32
    %dma_start3A_88 = tpu.memref_slice %arg3[%shift_right_arithmetic3A_1, %dma_start3A_83, %add3A_75, %dma_start3A_87] : memref<8x1x512x512xi32, #tpu.memory_space<hbm>> -> memref<1x1x32x512xi32, #tpu.memory_space<hbm>>
    %dma_start3A_89 = tpu.memref_squeeze %dma_start3A_88 : memref<1x1x32x512xi32, #tpu.memory_space<hbm>> -> memref<32x512xi32, #tpu.memory_space<hbm>>
    tpu.enqueue_dma source(%dma_start3A_89 : memref<32x512xi32, #tpu.memory_space<hbm>>) target(%arg7 : memref<32x512xi32, #tpu.memory_space<vmem>>) target_semaphore(%arg19 : memref<!tpu.dma_semaphore, #tpu.memory_space<semaphore_mem>>)
    %parallel_loop3A_90 = arith.constant 0 : i32
    %parallel_loop3A_91 = arith.constant 1024 : i32
    %parallel_loop3A_92 = arith.constant 1 : i32
    scf.for %parallel_loop3A_158 = %parallel_loop3A_90 to %parallel_loop3A_91 step %parallel_loop3A_92  : i32 {
      %parallel_loop3A_159 = arith.constant 5 : i32
      %parallel_loop3A_160 = arith.shrsi %parallel_loop3A_158, %parallel_loop3A_159 : i32
      %parallel_loop3A_161 = arith.constant 31 : i32
      %parallel_loop3A_162 = arith.andi %parallel_loop3A_158, %parallel_loop3A_161 : i32
      %parallel_loop3A_163 = arith.constant 16 : i32
      %parallel_loop3A_164 = arith.muli %parallel_loop3A_162, %parallel_loop3A_163 : i32
      %parallel_loop3A_165 = arith.index_cast %parallel_loop3A_160 : i32 to index
      %parallel_loop3A_166 = arith.index_cast %parallel_loop3A_164 : i32 to index
      %parallel_loop3A_167 = tpu.vector_load %arg6[%parallel_loop3A_165, %parallel_loop3A_166] {strides = array<i32>} : memref<32x512xi32, #tpu.memory_space<vmem>>, vector<16xi32>,
      %parallel_loop3A_168 = arith.index_cast %parallel_loop3A_160 : i32 to index
      %parallel_loop3A_169 = arith.index_cast %parallel_loop3A_164 : i32 to index
      %parallel_loop3A_170 = tpu.vector_load %arg8[%parallel_loop3A_168, %parallel_loop3A_169] {strides = array<i32>} : memref<32x512xi32, #tpu.memory_space<vmem>>, vector<16xi32>,
      %parallel_loop3A_171 = arith.cmpi eq, %parallel_loop3A_167, %parallel_loop3A_170 : vector<16xi32>
      %parallel_loop3A_172 = arith.constant 65537 : i32
      %parallel_loop3A_173 = arith.constant 1 : i32
      %parallel_loop3A_174 = vector.broadcast %parallel_loop3A_172 : i32 to vector<16xi32>
      %parallel_loop3A_175 = vector.broadcast %parallel_loop3A_173 : i32 to vector<16xi32>
      %parallel_loop3A_176 = arith.select %parallel_loop3A_171, %parallel_loop3A_174, %parallel_loop3A_175 : vector<16xi1>, vector<16xi32>
      %parallel_loop3A_177 = arith.addi %parallel_loop3A_167, %mul3A_7 : vector<16xi32>
      tpu.vector_store_idx %arg9[%parallel_loop3A_177], %parallel_loop3A_176 {add = true} : memref<2576xi32, #tpu.memory_space<vmem>>[vector<16xi32>], vector<16xi32>,
      %parallel_loop3A_178 = arith.addi %parallel_loop3A_170, %mul3A_7 : vector<16xi32>
      tpu.vector_store_idx %arg10[%parallel_loop3A_178], %broadcast_in_dim3A_8 {add = true} : memref<2576xi32, #tpu.memory_space<vmem>>[vector<16xi32>], vector<16xi32>,
    } {sc.loop_unroll_factor = 8 : i64, sc.parallel_access}
    %dma_wait3A_93 = arith.constant 0 : i32
    %dma_wait3A_94 = arith.constant 0 : i32
    %dma_wait3A_95 = tpu.memref_slice %arg2[%shift_right_arithmetic3A_1, %dma_wait3A_93, %add3A_75, %dma_wait3A_94] : memref<8x1x512x512xi32, #tpu.memory_space<hbm>> -> memref<1x1x32x512xi32, #tpu.memory_space<hbm>>
    %dma_wait3A_96 = tpu.memref_squeeze %dma_wait3A_95 : memref<1x1x32x512xi32, #tpu.memory_space<hbm>> -> memref<32x512xi32, #tpu.memory_space<hbm>>
    %dma_wait3A_97 = arith.constant 0 : i32
    %dma_wait3A_98 = tpu.memref_slice %arg2[%shift_right_arithmetic3A_1, %dma_wait3A_93, %add3A_75, %dma_wait3A_97] : memref<8x1x512x512xi32, #tpu.memory_space<hbm>> -> memref<1x1x32x512xi32, #tpu.memory_space<hbm>>
    %dma_wait3A_99 = tpu.memref_squeeze %dma_wait3A_98 : memref<1x1x32x512xi32, #tpu.memory_space<hbm>> -> memref<32x512xi32, #tpu.memory_space<hbm>>
    tpu.wait_dma2 semaphore(%arg17 : memref<!tpu.dma_semaphore, #tpu.memory_space<semaphore_mem>>) src(%dma_wait3A_99 : memref<32x512xi32, #tpu.memory_space<hbm>>) dst(%arg5 : memref<32x512xi32, #tpu.memory_space<vmem>>)
    %dma_wait3A_100 = arith.constant 0 : i32
    %dma_wait3A_101 = arith.constant 0 : i32
    %dma_wait3A_102 = tpu.memref_slice %arg3[%shift_right_arithmetic3A_1, %dma_wait3A_100, %add3A_75, %dma_wait3A_101] : memref<8x1x512x512xi32, #tpu.memory_space<hbm>> -> memref<1x1x32x512xi32, #tpu.memory_space<hbm>>
    %dma_wait3A_103 = tpu.memref_squeeze %dma_wait3A_102 : memref<1x1x32x512xi32, #tpu.memory_space<hbm>> -> memref<32x512xi32, #tpu.memory_space<hbm>>
    %dma_wait3A_104 = arith.constant 0 : i32
    %dma_wait3A_105 = tpu.memref_slice %arg3[%shift_right_arithmetic3A_1, %dma_wait3A_100, %add3A_75, %dma_wait3A_104] : memref<8x1x512x512xi32, #tpu.memory_space<hbm>> -> memref<1x1x32x512xi32, #tpu.memory_space<hbm>>
    %dma_wait3A_106 = tpu.memref_squeeze %dma_wait3A_105 : memref<1x1x32x512xi32, #tpu.memory_space<hbm>> -> memref<32x512xi32, #tpu.memory_space<hbm>>
    tpu.wait_dma2 semaphore(%arg19 : memref<!tpu.dma_semaphore, #tpu.memory_space<semaphore_mem>>) src(%dma_wait3A_106 : memref<32x512xi32, #tpu.memory_space<hbm>>) dst(%arg7 : memref<32x512xi32, #tpu.memory_space<vmem>>)
    %add3A_107 = arith.constant 96 : i32
    %add3A_108 = arith.addi %mul3A_4, %add3A_107 : i32
    %dma_start3A_109 = arith.constant 0 : i32
    %dma_start3A_110 = arith.constant 0 : i32
    %dma_start3A_111 = tpu.memref_slice %arg2[%shift_right_arithmetic3A_1, %dma_start3A_109, %add3A_108, %dma_start3A_110] : memref<8x1x512x512xi32, #tpu.memory_space<hbm>> -> memref<1x1x32x512xi32, #tpu.memory_space<hbm>>
    %dma_start3A_112 = tpu.memref_squeeze %dma_start3A_111 : memref<1x1x32x512xi32, #tpu.memory_space<hbm>> -> memref<32x512xi32, #tpu.memory_space<hbm>>
    %dma_start3A_113 = arith.constant 0 : i32
    %dma_start3A_114 = tpu.memref_slice %arg2[%shift_right_arithmetic3A_1, %dma_start3A_109, %add3A_108, %dma_start3A_113] : memref<8x1x512x512xi32, #tpu.memory_space<hbm>> -> memref<1x1x32x512xi32, #tpu.memory_space<hbm>>
    %dma_start3A_115 = tpu.memref_squeeze %dma_start3A_114 : memref<1x1x32x512xi32, #tpu.memory_space<hbm>> -> memref<32x512xi32, #tpu.memory_space<hbm>>
    tpu.enqueue_dma source(%dma_start3A_115 : memref<32x512xi32, #tpu.memory_space<hbm>>) target(%arg6 : memref<32x512xi32, #tpu.memory_space<vmem>>) target_semaphore(%arg18 : memref<!tpu.dma_semaphore, #tpu.memory_space<semaphore_mem>>)
    %dma_start3A_116 = arith.constant 0 : i32
    %dma_start3A_117 = arith.constant 0 : i32
    %dma_start3A_118 = tpu.memref_slice %arg3[%shift_right_arithmetic3A_1, %dma_start3A_116, %add3A_108, %dma_start3A_117] : memref<8x1x512x512xi32, #tpu.memory_space<hbm>> -> memref<1x1x32x512xi32, #tpu.memory_space<hbm>>
    %dma_start3A_119 = tpu.memref_squeeze %dma_start3A_118 : memref<1x1x32x512xi32, #tpu.memory_space<hbm>> -> memref<32x512xi32, #tpu.memory_space<hbm>>
    %dma_start3A_120 = arith.constant 0 : i32
    %dma_start3A_121 = tpu.memref_slice %arg3[%shift_right_arithmetic3A_1, %dma_start3A_116, %add3A_108, %dma_start3A_120] : memref<8x1x512x512xi32, #tpu.memory_space<hbm>> -> memref<1x1x32x512xi32, #tpu.memory_space<hbm>>
    %dma_start3A_122 = tpu.memref_squeeze %dma_start3A_121 : memref<1x1x32x512xi32, #tpu.memory_space<hbm>> -> memref<32x512xi32, #tpu.memory_space<hbm>>
    tpu.enqueue_dma source(%dma_start3A_122 : memref<32x512xi32, #tpu.memory_space<hbm>>) target(%arg8 : memref<32x512xi32, #tpu.memory_space<vmem>>) target_semaphore(%arg20 : memref<!tpu.dma_semaphore, #tpu.memory_space<semaphore_mem>>)
    %parallel_loop3A_123 = arith.constant 0 : i32
    %parallel_loop3A_124 = arith.constant 1024 : i32
    %parallel_loop3A_125 = arith.constant 1 : i32
    scf.for %parallel_loop3A_158 = %parallel_loop3A_123 to %parallel_loop3A_124 step %parallel_loop3A_125  : i32 {
      %parallel_loop3A_159 = arith.constant 5 : i32
      %parallel_loop3A_160 = arith.shrsi %parallel_loop3A_158, %parallel_loop3A_159 : i32
      %parallel_loop3A_161 = arith.constant 31 : i32
      %parallel_loop3A_162 = arith.andi %parallel_loop3A_158, %parallel_loop3A_161 : i32
      %parallel_loop3A_163 = arith.constant 16 : i32
      %parallel_loop3A_164 = arith.muli %parallel_loop3A_162, %parallel_loop3A_163 : i32
      %parallel_loop3A_165 = arith.index_cast %parallel_loop3A_160 : i32 to index
      %parallel_loop3A_166 = arith.index_cast %parallel_loop3A_164 : i32 to index
      %parallel_loop3A_167 = tpu.vector_load %arg5[%parallel_loop3A_165, %parallel_loop3A_166] {strides = array<i32>} : memref<32x512xi32, #tpu.memory_space<vmem>>, vector<16xi32>,
      %parallel_loop3A_168 = arith.index_cast %parallel_loop3A_160 : i32 to index
      %parallel_loop3A_169 = arith.index_cast %parallel_loop3A_164 : i32 to index
      %parallel_loop3A_170 = tpu.vector_load %arg7[%parallel_loop3A_168, %parallel_loop3A_169] {strides = array<i32>} : memref<32x512xi32, #tpu.memory_space<vmem>>, vector<16xi32>,
      %parallel_loop3A_171 = arith.cmpi eq, %parallel_loop3A_167, %parallel_loop3A_170 : vector<16xi32>
      %parallel_loop3A_172 = arith.constant 65537 : i32
      %parallel_loop3A_173 = arith.constant 1 : i32
      %parallel_loop3A_174 = vector.broadcast %parallel_loop3A_172 : i32 to vector<16xi32>
      %parallel_loop3A_175 = vector.broadcast %parallel_loop3A_173 : i32 to vector<16xi32>
      %parallel_loop3A_176 = arith.select %parallel_loop3A_171, %parallel_loop3A_174, %parallel_loop3A_175 : vector<16xi1>, vector<16xi32>
      %parallel_loop3A_177 = arith.addi %parallel_loop3A_167, %mul3A_7 : vector<16xi32>
      tpu.vector_store_idx %arg9[%parallel_loop3A_177], %parallel_loop3A_176 {add = true} : memref<2576xi32, #tpu.memory_space<vmem>>[vector<16xi32>], vector<16xi32>,
      %parallel_loop3A_178 = arith.addi %parallel_loop3A_170, %mul3A_7 : vector<16xi32>
      tpu.vector_store_idx %arg10[%parallel_loop3A_178], %broadcast_in_dim3A_8 {add = true} : memref<2576xi32, #tpu.memory_space<vmem>>[vector<16xi32>], vector<16xi32>,
    } {sc.loop_unroll_factor = 8 : i64, sc.parallel_access}
    %dma_wait3A_126 = arith.constant 0 : i32
    %dma_wait3A_127 = arith.constant 0 : i32
    %dma_wait3A_128 = tpu.memref_slice %arg2[%shift_right_arithmetic3A_1, %dma_wait3A_126, %add3A_108, %dma_wait3A_127] : memref<8x1x512x512xi32, #tpu.memory_space<hbm>> -> memref<1x1x32x512xi32, #tpu.memory_space<hbm>>
    %dma_wait3A_129 = tpu.memref_squeeze %dma_wait3A_128 : memref<1x1x32x512xi32, #tpu.memory_space<hbm>> -> memref<32x512xi32, #tpu.memory_space<hbm>>
    %dma_wait3A_130 = arith.constant 0 : i32
    %dma_wait3A_131 = tpu.memref_slice %arg2[%shift_right_arithmetic3A_1, %dma_wait3A_126, %add3A_108, %dma_wait3A_130] : memref<8x1x512x512xi32, #tpu.memory_space<hbm>> -> memref<1x1x32x512xi32, #tpu.memory_space<hbm>>
    %dma_wait3A_132 = tpu.memref_squeeze %dma_wait3A_131 : memref<1x1x32x512xi32, #tpu.memory_space<hbm>> -> memref<32x512xi32, #tpu.memory_space<hbm>>
    tpu.wait_dma2 semaphore(%arg18 : memref<!tpu.dma_semaphore, #tpu.memory_space<semaphore_mem>>) src(%dma_wait3A_132 : memref<32x512xi32, #tpu.memory_space<hbm>>) dst(%arg6 : memref<32x512xi32, #tpu.memory_space<vmem>>)
    %dma_wait3A_133 = arith.constant 0 : i32
    %dma_wait3A_134 = arith.constant 0 : i32
    %dma_wait3A_135 = tpu.memref_slice %arg3[%shift_right_arithmetic3A_1, %dma_wait3A_133, %add3A_108, %dma_wait3A_134] : memref<8x1x512x512xi32, #tpu.memory_space<hbm>> -> memref<1x1x32x512xi32, #tpu.memory_space<hbm>>
    %dma_wait3A_136 = tpu.memref_squeeze %dma_wait3A_135 : memref<1x1x32x512xi32, #tpu.memory_space<hbm>> -> memref<32x512xi32, #tpu.memory_space<hbm>>
    %dma_wait3A_137 = arith.constant 0 : i32
    %dma_wait3A_138 = tpu.memref_slice %arg3[%shift_right_arithmetic3A_1, %dma_wait3A_133, %add3A_108, %dma_wait3A_137] : memref<8x1x512x512xi32, #tpu.memory_space<hbm>> -> memref<1x1x32x512xi32, #tpu.memory_space<hbm>>
    %dma_wait3A_139 = tpu.memref_squeeze %dma_wait3A_138 : memref<1x1x32x512xi32, #tpu.memory_space<hbm>> -> memref<32x512xi32, #tpu.memory_space<hbm>>
    tpu.wait_dma2 semaphore(%arg20 : memref<!tpu.dma_semaphore, #tpu.memory_space<semaphore_mem>>) src(%dma_wait3A_139 : memref<32x512xi32, #tpu.memory_space<hbm>>) dst(%arg8 : memref<32x512xi32, #tpu.memory_space<vmem>>)
    %parallel_loop3A_140 = arith.constant 0 : i32
    %parallel_loop3A_141 = arith.constant 1024 : i32
    %parallel_loop3A_142 = arith.constant 1 : i32
    scf.for %parallel_loop3A_158 = %parallel_loop3A_140 to %parallel_loop3A_141 step %parallel_loop3A_142  : i32 {
      %parallel_loop3A_159 = arith.constant 5 : i32
      %parallel_loop3A_160 = arith.shrsi %parallel_loop3A_158, %parallel_loop3A_159 : i32
      %parallel_loop3A_161 = arith.constant 31 : i32
      %parallel_loop3A_162 = arith.andi %parallel_loop3A_158, %parallel_loop3A_161 : i32
      %parallel_loop3A_163 = arith.constant 16 : i32
      %parallel_loop3A_164 = arith.muli %parallel_loop3A_162, %parallel_loop3A_163 : i32
      %parallel_loop3A_165 = arith.index_cast %parallel_loop3A_160 : i32 to index
      %parallel_loop3A_166 = arith.index_cast %parallel_loop3A_164 : i32 to index
      %parallel_loop3A_167 = tpu.vector_load %arg6[%parallel_loop3A_165, %parallel_loop3A_166] {strides = array<i32>} : memref<32x512xi32, #tpu.memory_space<vmem>>, vector<16xi32>,
      %parallel_loop3A_168 = arith.index_cast %parallel_loop3A_160 : i32 to index
      %parallel_loop3A_169 = arith.index_cast %parallel_loop3A_164 : i32 to index
      %parallel_loop3A_170 = tpu.vector_load %arg8[%parallel_loop3A_168, %parallel_loop3A_169] {strides = array<i32>} : memref<32x512xi32, #tpu.memory_space<vmem>>, vector<16xi32>,
      %parallel_loop3A_171 = arith.cmpi eq, %parallel_loop3A_167, %parallel_loop3A_170 : vector<16xi32>
      %parallel_loop3A_172 = arith.constant 65537 : i32
      %parallel_loop3A_173 = arith.constant 1 : i32
      %parallel_loop3A_174 = vector.broadcast %parallel_loop3A_172 : i32 to vector<16xi32>
      %parallel_loop3A_175 = vector.broadcast %parallel_loop3A_173 : i32 to vector<16xi32>
      %parallel_loop3A_176 = arith.select %parallel_loop3A_171, %parallel_loop3A_174, %parallel_loop3A_175 : vector<16xi1>, vector<16xi32>
      %parallel_loop3A_177 = arith.addi %parallel_loop3A_167, %mul3A_7 : vector<16xi32>
      tpu.vector_store_idx %arg9[%parallel_loop3A_177], %parallel_loop3A_176 {add = true} : memref<2576xi32, #tpu.memory_space<vmem>>[vector<16xi32>], vector<16xi32>,
      %parallel_loop3A_178 = arith.addi %parallel_loop3A_170, %mul3A_7 : vector<16xi32>
      tpu.vector_store_idx %arg10[%parallel_loop3A_178], %broadcast_in_dim3A_8 {add = true} : memref<2576xi32, #tpu.memory_space<vmem>>[vector<16xi32>], vector<16xi32>,
    } {sc.loop_unroll_factor = 8 : i64, sc.parallel_access}
    %scan3A = arith.constant 0 : i32
    %scan3A_143 = arith.constant 0 : i32
    %scan3A_144 = arith.constant 10 : i32
    %scan3A_145 = arith.addi %scan3A_143, %scan3A_144 : i32
    %scan3A_146 = arith.constant 1 : i32
    %scan3A_147 = scf.for %scan3A_158 = %scan3A_143 to %scan3A_145 step %scan3A_146 iter_args(%scan3A_159 = %scan3A) -> (i32)  : i32 {
      %mul3A_160 = arith.constant 16 : i32
      %mul3A_161 = arith.muli %scan3A_158, %mul3A_160 : i32
      %get3A = arith.index_cast %mul3A_161 : i32 to index
      %get3A_162 = tpu.vector_load %arg9[%get3A] {strides = array<i32>} : memref<2576xi32, #tpu.memory_space<vmem>>, vector<16xi32>,
      %and3A_163 = arith.constant 65535 : i32
      %and3A_164 = vector.broadcast %and3A_163 : i32 to vector<16xi32>
      %and3A_165 = arith.andi %get3A_162, %and3A_164 : vector<16xi32>
      %shift_right_logical3A = arith.constant 16 : i32
      %shift_right_logical3A_166 = vector.broadcast %shift_right_logical3A : i32 to vector<16xi32>
      %shift_right_logical3A_167 = arith.shrui %get3A_162, %shift_right_logical3A_166 : vector<16xi32>
      %get3A_168 = arith.index_cast %mul3A_161 : i32 to index
      %get3A_169 = tpu.vector_load %arg10[%get3A_168] {strides = array<i32>} : memref<2576xi32, #tpu.memory_space<vmem>>, vector<16xi32>,
      %scan3A_170 = arith.constant 1 : i32
      %scan3A_171 = arith.constant 15 : i32
      %scan3A_172 = arith.addi %scan3A_170, %scan3A_171 : i32
      %scan3A_173 = arith.constant 1 : i32
      %scan3A_174:3 = scf.for %scan3A_186 = %scan3A_170 to %scan3A_172 step %scan3A_173 iter_args(%scan3A_187 = %and3A_165, %scan3A_188 = %get3A_169, %scan3A_189 = %shift_right_logical3A_167) -> (vector<16xi32>, vector<16xi32>, vector<16xi32>)  : i32 {
        %mul3A_190 = arith.constant 161 : i32
        %mul3A_191 = arith.muli %scan3A_186, %mul3A_190 : i32
        %add3A_192 = arith.addi %mul3A_191, %mul3A_161 : i32
        %get3A_193 = arith.index_cast %add3A_192 : i32 to index
        %get3A_194 = tpu.vector_load %arg9[%get3A_193] {strides = array<i32>} : memref<2576xi32, #tpu.memory_space<vmem>>, vector<16xi32>,
        %and3A_195 = arith.constant 65535 : i32
        %and3A_196 = vector.broadcast %and3A_195 : i32 to vector<16xi32>
        %and3A_197 = arith.andi %get3A_194, %and3A_196 : vector<16xi32>
        %add3A_198 = arith.addi %scan3A_187, %and3A_197 : vector<16xi32>
        %shift_right_logical3A_199 = arith.constant 16 : i32
        %shift_right_logical3A_200 = vector.broadcast %shift_right_logical3A_199 : i32 to vector<16xi32>
        %shift_right_logical3A_201 = arith.shrui %get3A_194, %shift_right_logical3A_200 : vector<16xi32>
        %add3A_202 = arith.addi %scan3A_189, %shift_right_logical3A_201 : vector<16xi32>
        %mul3A_203 = arith.constant 161 : i32
        %mul3A_204 = arith.muli %scan3A_186, %mul3A_203 : i32
        %add3A_205 = arith.addi %mul3A_204, %mul3A_161 : i32
        %get3A_206 = arith.index_cast %add3A_205 : i32 to index
        %get3A_207 = tpu.vector_load %arg10[%get3A_206] {strides = array<i32>} : memref<2576xi32, #tpu.memory_space<vmem>>, vector<16xi32>,
        %add3A_208 = arith.addi %scan3A_188, %get3A_207 : vector<16xi32>
        scf.yield %add3A_198, %add3A_208, %add3A_202 : vector<16xi32>, vector<16xi32>, vector<16xi32>
      }
      %scan3A_175 = arith.constant 15 : i32
      %swap3A = arith.index_cast %mul3A_161 : i32 to index
      %swap3A_176 = tpu.vector_load %arg11[%swap3A] {strides = array<i32>} : memref<480xi32, #tpu.memory_space<vmem>>, vector<16xi32>,
      tpu.vector_store %arg11[%swap3A], %scan3A_174#0 {strides = array<i32>} : memref<480xi32, #tpu.memory_space<vmem>>, vector<16xi32>,
      %add3A_177 = arith.constant 160 : i32
      %add3A_178 = arith.addi %add3A_177, %mul3A_161 : i32
      %swap3A_179 = arith.index_cast %add3A_178 : i32 to index
      %swap3A_180 = tpu.vector_load %arg11[%swap3A_179] {strides = array<i32>} : memref<480xi32, #tpu.memory_space<vmem>>, vector<16xi32>,
      tpu.vector_store %arg11[%swap3A_179], %scan3A_174#1 {strides = array<i32>} : memref<480xi32, #tpu.memory_space<vmem>>, vector<16xi32>,
      %add3A_181 = arith.constant 320 : i32
      %add3A_182 = arith.addi %add3A_181, %mul3A_161 : i32
      %swap3A_183 = arith.index_cast %add3A_182 : i32 to index
      %swap3A_184 = tpu.vector_load %arg11[%swap3A_183] {strides = array<i32>} : memref<480xi32, #tpu.memory_space<vmem>>, vector<16xi32>,
      tpu.vector_store %arg11[%swap3A_183], %scan3A_174#2 {strides = array<i32>} : memref<480xi32, #tpu.memory_space<vmem>>, vector<16xi32>,
      %scan3A_185 = arith.constant 0 : i32
      scf.yield %scan3A_185 : i32
    }
    %scan3A_148 = arith.constant 10 : i32
    %mul3A_149 = arith.constant 480 : i32
    %mul3A_150 = arith.muli %arg1, %mul3A_149 : i32
    "tpu.region"() ({
      %run_scoped3A = tpu.sem_alloc : memref<!tpu.dma_semaphore, #tpu.memory_space<semaphore_mem>>
      %dma_start3A_158 = tpu.memref_slice %arg12[%mul3A_150] : memref<7680xi32, #tpu.memory_space<vmem_shared>> -> memref<480xi32, #tpu.memory_space<vmem_shared>>
      %dma_start3A_159 = tpu.memref_slice %arg12[%mul3A_150] : memref<7680xi32, #tpu.memory_space<vmem_shared>> -> memref<480xi32, #tpu.memory_space<vmem_shared>>
      tpu.enqueue_dma source(%arg11 : memref<480xi32, #tpu.memory_space<vmem>>) target(%dma_start3A_159 : memref<480xi32, #tpu.memory_space<vmem_shared>>) target_semaphore(%run_scoped3A : memref<!tpu.dma_semaphore, #tpu.memory_space<semaphore_mem>>)
      %dma_wait3A_160 = tpu.memref_slice %arg12[%mul3A_150] : memref<7680xi32, #tpu.memory_space<vmem_shared>> -> memref<480xi32, #tpu.memory_space<vmem_shared>>
      %dma_wait3A_161 = tpu.memref_slice %arg12[%mul3A_150] : memref<7680xi32, #tpu.memory_space<vmem_shared>> -> memref<480xi32, #tpu.memory_space<vmem_shared>>
      tpu.wait_dma2 semaphore(%run_scoped3A : memref<!tpu.dma_semaphore, #tpu.memory_space<semaphore_mem>>) src(%arg11 : memref<480xi32, #tpu.memory_space<vmem>>) dst(%dma_wait3A_161 : memref<480xi32, #tpu.memory_space<vmem_shared>>)
      tpu.yield
    }) : () -> ()
    %barrier3A = arith.constant 0 : index
    tpu.barrier barrier_id(%barrier3A)
    %lt3A = arith.constant 4 : i32
    %lt3A_151 = arith.cmpi slt, %arg1, %lt3A : i32
    %convert_element_type3A = arith.extui %lt3A_151 : i1 to i32
    %cond3A = arith.constant 0 : i32
    %cond3A_152 = arith.cmpi ne, %convert_element_type3A, %cond3A : i32
    scf.if %cond3A_152 {
      %mul3A_158 = arith.constant 4 : i32
      %mul3A_159 = arith.muli %mul3A_158, %arg1 : i32
      %mul3A_160 = arith.constant 480 : i32
      %mul3A_161 = arith.muli %mul3A_159, %mul3A_160 : i32
      "tpu.region"() ({
        %run_scoped3A = tpu.sem_alloc : memref<!tpu.dma_semaphore, #tpu.memory_space<semaphore_mem>>
        %dma_start3A_185 = tpu.memref_slice %arg12[%mul3A_161] : memref<7680xi32, #tpu.memory_space<vmem_shared>> -> memref<1920xi32, #tpu.memory_space<vmem_shared>>
        %dma_start3A_186 = tpu.memref_slice %arg12[%mul3A_161] : memref<7680xi32, #tpu.memory_space<vmem_shared>> -> memref<1920xi32, #tpu.memory_space<vmem_shared>>
        tpu.enqueue_dma source(%dma_start3A_186 : memref<1920xi32, #tpu.memory_space<vmem_shared>>) target(%arg13 : memref<1920xi32, #tpu.memory_space<vmem>>) target_semaphore(%run_scoped3A : memref<!tpu.dma_semaphore, #tpu.memory_space<semaphore_mem>>)
        %dma_wait3A_187 = tpu.memref_slice %arg12[%mul3A_161] : memref<7680xi32, #tpu.memory_space<vmem_shared>> -> memref<1920xi32, #tpu.memory_space<vmem_shared>>
        %dma_wait3A_188 = tpu.memref_slice %arg12[%mul3A_161] : memref<7680xi32, #tpu.memory_space<vmem_shared>> -> memref<1920xi32, #tpu.memory_space<vmem_shared>>
        tpu.wait_dma2 semaphore(%run_scoped3A : memref<!tpu.dma_semaphore, #tpu.memory_space<semaphore_mem>>) src(%dma_wait3A_188 : memref<1920xi32, #tpu.memory_space<vmem_shared>>) dst(%arg13 : memref<1920xi32, #tpu.memory_space<vmem>>)
        tpu.yield
      }) : () -> ()
      %broadcast_in_dim3A_162 = arith.constant 0.000000e+00 : f32
      %broadcast_in_dim3A_163 = vector.broadcast %broadcast_in_dim3A_162 : f32 to vector<16xf32>
      %scan3A_164 = arith.constant 0 : i32
      %scan3A_165 = arith.constant 10 : i32
      %scan3A_166 = arith.addi %scan3A_164, %scan3A_165 : i32
      %scan3A_167 = arith.constant 1 : i32
      %scan3A_168:2 = scf.for %scan3A_185 = %scan3A_164 to %scan3A_166 step %scan3A_167 iter_args(%scan3A_186 = %broadcast_in_dim3A_163, %scan3A_187 = %broadcast_in_dim3A_163) -> (vector<16xf32>, vector<16xf32>)  : i32 {
        %mul3A_188 = arith.constant 16 : i32
        %mul3A_189 = arith.muli %scan3A_185, %mul3A_188 : i32
        %scan3A_190 = arith.constant 0 : i32
        %scan3A_191 = arith.constant 4 : i32
        %scan3A_192 = arith.addi %scan3A_190, %scan3A_191 : i32
        %scan3A_193 = arith.constant 1 : i32
        %scan3A_194:3 = scf.for %scan3A_221 = %scan3A_190 to %scan3A_192 step %scan3A_193 iter_args(%scan3A_222 = %broadcast_in_dim3A_10, %scan3A_223 = %broadcast_in_dim3A_10, %scan3A_224 = %broadcast_in_dim3A_10) -> (vector<16xi32>, vector<16xi32>, vector<16xi32>)  : i32 {
          %mul3A_225 = arith.constant 480 : i32
          %mul3A_226 = arith.muli %scan3A_221, %mul3A_225 : i32
          %add3A_227 = arith.addi %mul3A_226, %mul3A_189 : i32
          %get3A = arith.index_cast %add3A_227 : i32 to index
          %get3A_228 = tpu.vector_load %arg13[%get3A] {strides = array<i32>} : memref<1920xi32, #tpu.memory_space<vmem>>, vector<16xi32>,
          %add3A_229 = arith.addi %scan3A_222, %get3A_228 : vector<16xi32>
          %add3A_230 = arith.constant 160 : i32
          %add3A_231 = arith.addi %add3A_227, %add3A_230 : i32
          %get3A_232 = arith.index_cast %add3A_231 : i32 to index
          %get3A_233 = tpu.vector_load %arg13[%get3A_232] {strides = array<i32>} : memref<1920xi32, #tpu.memory_space<vmem>>, vector<16xi32>,
          %add3A_234 = arith.addi %scan3A_223, %get3A_233 : vector<16xi32>
          %add3A_235 = arith.constant 320 : i32
          %add3A_236 = arith.addi %add3A_227, %add3A_235 : i32
          %get3A_237 = arith.index_cast %add3A_236 : i32 to index
          %get3A_238 = tpu.vector_load %arg13[%get3A_237] {strides = array<i32>} : memref<1920xi32, #tpu.memory_space<vmem>>, vector<16xi32>,
          %add3A_239 = arith.addi %scan3A_224, %get3A_238 : vector<16xi32>
          scf.yield %add3A_229, %add3A_234, %add3A_239 : vector<16xi32>, vector<16xi32>, vector<16xi32>
        }
        %scan3A_195 = arith.constant 4 : i32
        %convert_element_type3A_196 = arith.sitofp %scan3A_194#0 : vector<16xi32> to vector<16xf32>
        %convert_element_type3A_197 = arith.sitofp %scan3A_194#1 : vector<16xi32> to vector<16xf32>
        %convert_element_type3A_198 = arith.sitofp %scan3A_194#2 : vector<16xi32> to vector<16xf32>
        %add3A_199 = arith.addf %convert_element_type3A_196, %convert_element_type3A_197 : vector<16xf32>
        %add3A_200 = vector.broadcast %mul3A_189 : i32 to vector<16xi32>
        %add3A_201 = arith.addi %iota3A, %add3A_200 : vector<16xi32>
        %ge3A = arith.constant 1 : i32
        %ge3A_202 = vector.broadcast %ge3A : i32 to vector<16xi32>
        %ge3A_203 = arith.cmpi sge, %add3A_201, %ge3A_202 : vector<16xi32>
        %gt3A = arith.constant 0.000000e+00 : f32
        %gt3A_204 = vector.broadcast %gt3A : f32 to vector<16xf32>
        %gt3A_205 = arith.cmpf ogt, %add3A_199, %gt3A_204 : vector<16xf32>
        %and3A_206 = arith.andi %gt3A_205, %ge3A_203 : vector<16xi1>
        %jit3A = arith.constant 1.000000e+00 : f32
        %broadcast_in_dim3A_207 = vector.broadcast %jit3A : f32 to vector<16xf32>
        %select_n3A = arith.select %and3A_206, %add3A_199, %broadcast_in_dim3A_207 : vector<16xi1>, vector<16xf32>
        %mul3A_208 = arith.constant 2.000000e+00 : f32
        %mul3A_209 = vector.broadcast %mul3A_208 : f32 to vector<16xf32>
        %mul3A_210 = arith.mulf %mul3A_209, %convert_element_type3A_197 : vector<16xf32>
        %mul3A_211 = arith.mulf %mul3A_210, %convert_element_type3A_198 : vector<16xf32>
        %div3A_212 = arith.divf %mul3A_211, %select_n3A : vector<16xf32>
        %jit3A_213 = arith.constant 0.000000e+00 : f32
        %broadcast_in_dim3A_214 = vector.broadcast %jit3A_213 : f32 to vector<16xf32>
        %select_n3A_215 = arith.select %and3A_206, %div3A_212, %broadcast_in_dim3A_214 : vector<16xi1>, vector<16xf32>
        %add3A_216 = arith.addf %scan3A_186, %select_n3A_215 : vector<16xf32>
        %jit3A_217 = arith.constant 0.000000e+00 : f32
        %broadcast_in_dim3A_218 = vector.broadcast %jit3A_217 : f32 to vector<16xf32>
        %select_n3A_219 = arith.select %ge3A_203, %convert_element_type3A_197, %broadcast_in_dim3A_218 : vector<16xi1>, vector<16xf32>
        %add3A_220 = arith.addf %scan3A_187, %select_n3A_219 : vector<16xf32>
        scf.yield %add3A_216, %add3A_220 : vector<16xf32>, vector<16xf32>
      }
      %scan3A_169 = arith.constant 10 : i32
      %reduce_sum3A = arith.constant true
      %reduce_sum3A_170 = vector.broadcast %reduce_sum3A : i1 to vector<16xi1>
      %reduce_sum3A_171 = tpu.scan <sum>, %scan3A_168#0 masked %reduce_sum3A_170 : vector<16xf32>, vector<16xi1> -> vector<16xf32>
      %reduce_sum3A_172 = vector.extract %reduce_sum3A_171[15] : f32 from vector<16xf32>
      %broadcast_in_dim3A_173 = vector.broadcast %reduce_sum3A_172 : f32 to vector<16xf32>
      %reduce_sum3A_174 = arith.constant true
      %reduce_sum3A_175 = vector.broadcast %reduce_sum3A_174 : i1 to vector<16xi1>
      %reduce_sum3A_176 = tpu.scan <sum>, %scan3A_168#1 masked %reduce_sum3A_175 : vector<16xf32>, vector<16xi1> -> vector<16xf32>
      %reduce_sum3A_177 = vector.extract %reduce_sum3A_176[15] : f32 from vector<16xf32>
      %broadcast_in_dim3A_178 = vector.broadcast %reduce_sum3A_177 : f32 to vector<16xf32>
      %mul3A_179 = arith.constant 8.000000e+00 : f32
      %mul3A_180 = vector.broadcast %mul3A_179 : f32 to vector<16xf32>
      %mul3A_181 = arith.mulf %broadcast_in_dim3A_178, %mul3A_180 : vector<16xf32>
      %div3A = arith.divf %broadcast_in_dim3A_173, %mul3A_181 : vector<16xf32>
      %swap3A = arith.constant 0 : index
      %swap3A_182 = tpu.vector_load %arg16[%swap3A] {strides = array<i32>} : memref<16xf32, #tpu.memory_space<vmem>>, vector<16xf32>,
      tpu.vector_store %arg16[%swap3A], %div3A {strides = array<i32>} : memref<16xf32, #tpu.memory_space<vmem>>, vector<16xf32>,
      %mul3A_183 = arith.constant 16 : i32
      %mul3A_184 = arith.muli %arg1, %mul3A_183 : i32
      "tpu.region"() ({
        %run_scoped3A = tpu.sem_alloc : memref<!tpu.dma_semaphore, #tpu.memory_space<semaphore_mem>>
        %dma_start3A_185 = tpu.memref_slice %arg14[%mul3A_184] : memref<64xf32, #tpu.memory_space<vmem_shared>> -> memref<16xf32, #tpu.memory_space<vmem_shared>>
        %dma_start3A_186 = tpu.memref_slice %arg14[%mul3A_184] : memref<64xf32, #tpu.memory_space<vmem_shared>> -> memref<16xf32, #tpu.memory_space<vmem_shared>>
        tpu.enqueue_dma source(%arg16 : memref<16xf32, #tpu.memory_space<vmem>>) target(%dma_start3A_186 : memref<16xf32, #tpu.memory_space<vmem_shared>>) target_semaphore(%run_scoped3A : memref<!tpu.dma_semaphore, #tpu.memory_space<semaphore_mem>>)
        %dma_wait3A_187 = tpu.memref_slice %arg14[%mul3A_184] : memref<64xf32, #tpu.memory_space<vmem_shared>> -> memref<16xf32, #tpu.memory_space<vmem_shared>>
        %dma_wait3A_188 = tpu.memref_slice %arg14[%mul3A_184] : memref<64xf32, #tpu.memory_space<vmem_shared>> -> memref<16xf32, #tpu.memory_space<vmem_shared>>
        tpu.wait_dma2 semaphore(%run_scoped3A : memref<!tpu.dma_semaphore, #tpu.memory_space<semaphore_mem>>) src(%arg16 : memref<16xf32, #tpu.memory_space<vmem>>) dst(%dma_wait3A_188 : memref<16xf32, #tpu.memory_space<vmem_shared>>)
        tpu.yield
      }) : () -> ()
    } else {
    }
    %barrier3A_153 = arith.constant 0 : index
    tpu.barrier barrier_id(%barrier3A_153)
    %eq3A = arith.constant 0 : i32
    %eq3A_154 = arith.cmpi eq, %arg1, %eq3A : i32
    %convert_element_type3A_155 = arith.extui %eq3A_154 : i1 to i32
    %cond3A_156 = arith.constant 0 : i32
    %cond3A_157 = arith.cmpi ne, %convert_element_type3A_155, %cond3A_156 : i32
    scf.if %cond3A_157 {
      "tpu.region"() ({
        %run_scoped3A = tpu.sem_alloc : memref<!tpu.dma_semaphore, #tpu.memory_space<semaphore_mem>>
        tpu.enqueue_dma source(%arg14 : memref<64xf32, #tpu.memory_space<vmem_shared>>) target(%arg15 : memref<64xf32, #tpu.memory_space<vmem>>) target_semaphore(%run_scoped3A : memref<!tpu.dma_semaphore, #tpu.memory_space<semaphore_mem>>)
        tpu.wait_dma2 semaphore(%run_scoped3A : memref<!tpu.dma_semaphore, #tpu.memory_space<semaphore_mem>>) src(%arg14 : memref<64xf32, #tpu.memory_space<vmem_shared>>) dst(%arg15 : memref<64xf32, #tpu.memory_space<vmem>>)
        tpu.yield
      }) : () -> ()
      %get3A = arith.constant 0 : index
      %get3A_158 = tpu.vector_load %arg15[%get3A] {strides = array<i32>} : memref<64xf32, #tpu.memory_space<vmem>>, vector<16xf32>,
      %get3A_159 = arith.constant 16 : index
      %get3A_160 = tpu.vector_load %arg15[%get3A_159] {strides = array<i32>} : memref<64xf32, #tpu.memory_space<vmem>>, vector<16xf32>,
      %add3A_161 = arith.addf %get3A_158, %get3A_160 : vector<16xf32>
      %get3A_162 = arith.constant 32 : index
      %get3A_163 = tpu.vector_load %arg15[%get3A_162] {strides = array<i32>} : memref<64xf32, #tpu.memory_space<vmem>>, vector<16xf32>,
      %add3A_164 = arith.addf %add3A_161, %get3A_163 : vector<16xf32>
      %get3A_165 = arith.constant 48 : index
      %get3A_166 = tpu.vector_load %arg15[%get3A_165] {strides = array<i32>} : memref<64xf32, #tpu.memory_space<vmem>>, vector<16xf32>,
      %add3A_167 = arith.addf %add3A_164, %get3A_166 : vector<16xf32>
      %swap3A = arith.constant 0 : index
      %swap3A_168 = tpu.vector_load %arg16[%swap3A] {strides = array<i32>} : memref<16xf32, #tpu.memory_space<vmem>>, vector<16xf32>,
      tpu.vector_store %arg16[%swap3A], %add3A_167 {strides = array<i32>} : memref<16xf32, #tpu.memory_space<vmem>>, vector<16xf32>,
      %mul3A_169 = arith.constant 16 : i32
      %mul3A_170 = arith.muli %arg0, %mul3A_169 : i32
      "tpu.region"() ({
        %run_scoped3A = tpu.sem_alloc : memref<!tpu.dma_semaphore, #tpu.memory_space<semaphore_mem>>
        %dma_start3A_171 = tpu.memref_slice %arg4[%mul3A_170] : memref<32xf32, #tpu.memory_space<hbm>> -> memref<16xf32, #tpu.memory_space<hbm>>
        %dma_start3A_172 = tpu.memref_slice %arg4[%mul3A_170] : memref<32xf32, #tpu.memory_space<hbm>> -> memref<16xf32, #tpu.memory_space<hbm>>
        tpu.enqueue_dma source(%arg16 : memref<16xf32, #tpu.memory_space<vmem>>) target(%dma_start3A_172 : memref<16xf32, #tpu.memory_space<hbm>>) target_semaphore(%run_scoped3A : memref<!tpu.dma_semaphore, #tpu.memory_space<semaphore_mem>>)
        %dma_wait3A_173 = tpu.memref_slice %arg4[%mul3A_170] : memref<32xf32, #tpu.memory_space<hbm>> -> memref<16xf32, #tpu.memory_space<hbm>>
        %dma_wait3A_174 = tpu.memref_slice %arg4[%mul3A_170] : memref<32xf32, #tpu.memory_space<hbm>> -> memref<16xf32, #tpu.memory_space<hbm>>
        tpu.wait_dma2 semaphore(%run_scoped3A : memref<!tpu.dma_semaphore, #tpu.memory_space<semaphore_mem>>) src(%arg16 : memref<16xf32, #tpu.memory_space<vmem>>) dst(%dma_wait3A_174 : memref<16xf32, #tpu.memory_space<hbm>>)
        tpu.yield
      }) : () -> ()
    } else {
    }
    return
  }
}

</mosaic_0001>

<sc_bundles>
// kernel: kernel.3.cloned.1.call-start
scs
__scs_entry_jumppad:
0x0: {  	(pc) =	sbr.rel $0x88, $3  }
0x1: {  	(tag) =	ssettag $0x0;
	lr =	simm.s32 $0x1  }
0x2: {  	[smem:$0x3F9F] =	sst lr;
	_ =	strace $0xD0000000  }
0x3: {  	_ = 	snop  }
0x4: {  	_ = 	snop  }
0x5: {  	_ = 	snop  }
0x6: {  	_ = 	snop  }
0x7: {  	_ = 	snop  }
__scs_overlays_trampoline_lowered:
0x8: {  	[smem:$0x3FAE] =	sst s0  }
0x9: {  	[smem:$0x3FAF] =	sst s1  }
0xa: {  	[smem:$0x3FB0] =	sst s2  }
0xb: {  	[smem:$0x3FB1] =	sst s3  }
0xc: {  	[smem:$0x3FB2] =	sst s4  }
0xd: {  	[smem:$0x3FB3] =	sst s5  }
0xe: {  	[smem:$0x3FB4] =	sst s6  }
0xf: {  	[smem:$0x3FB5] =	sst s7  }
0x10: {  	[smem:$0x3FB6] =	sst s8  }
0x11: {  	[smem:$0x3FB7] =	sst s9;
	s0 =	simm.s32 @!p0 $0x0  }
0x12: {  	s1 =	sld [smem:$0x3F9D];
	s0 =	simm.s32 @p0 $0x1  }
0x13: {  	[smem:$0x3FB8] =	sst s0;
	s0 =	simm.s32 @!p1 $0x0  }
0x14: {  	s2 =	sld [smem:$0x3F9C];
	s0 =	simm.s32 @p1 $0x1  }
0x15: {  	[smem:$0x3FB9] =	sst s0;
	s0 =	simm.s32 @!p2 $0x0  }
0x16: {  	s3 =	sld [smem:$0x3FDB];
	s0 =	simm.s32 @p2 $0x1  }
0x17: {  	s4 =	simm.s32 $0x1BF5;
	[smem:$0x3FBB] =	sst s0  }
0x18: {  	s0 =	sld [smem:$0x3F9E];
	_ =	swait.ge [sflag:s4], $0x0  }
0x19: {  	s7 =	sld [smem:$0x3F9F]  }
0x1a: {  	s8 =	sadd.s32 $0xFFFFE003, lr  }
0x1b: {  	s9 =	sadd.s32 $0xFFFFFEF7, lr;
	s5 =	simm.s32 $0xFFFFFFFF;
	p2 =	slt.u32 s8, $0xFFFFF086  }
0x1c: {  	p1 =	slt.u32 s9, $0xF7A;
	s5 =	simm.s32 @!p2 $0x0  }
0x1d: {  	s5 =	simm.s32 @p1 $0x1;
	p0 =	seq.s32 s7, s2  }
0x1e: {  	s7 =	smul.u32 @!p0 $0xF7A, s2;
	p2 =	seq.s32 @!p0 s5, $0x0  }
0x1f: {  	s9 =	smul.u32 $0xF7A, s1;
	s8 =	simm.s32 @!p0 $0x1BF5;
	p2 =	por !p2, p0  }
0x20: {  	[sflag:s8] =	ssyncset.s32 @!p0 $0xFFFFF086;
	s6 =	sadd.s32 @!p0 s3, s7;
	s7 =	simm.s32 @!p0 $0x108  }
0x21: {  	s3 =	sadd.s32 s3, s9;
	s6 =	sadd.s32 @!p0 $0x88, s6;
	s7 =	simm.s32 @p2 $0x1082  }
0x22: {  	[simem:s7], [sflag:s8] =	dma.local @!p0 [hbm:s6], $0xF7A  }
0x23: {  	s9 =	sor.u32 $0xD0000000, s2;
	s6 =	simm.s32 $0x108;
	_ =	swait.ge @!p0 [sflag:s8], $0x0  }
0x24: {  	s3 =	sadd.s32 $0x88, s3;
	s6 =	simm.s32 @!p1 $0x1082;
	[sflag:s4] =	ssyncset.s32 $0xFFFFF086  }
0x25: {  	[simem:s6], [sflag:s4] =	dma.local [hbm:s3], $0xF7A  }
0x26: {  	[smem:$0x3F9F] =	sst s1;
	(tag) =	ssettag s2;
	_ =	strace s9  }
0x27: {  	s1 =	sld [smem:$0x3FAF]  }
0x28: {  	s2 =	sld [smem:$0x3FB0]  }
0x29: {  	s4 =	sld [smem:$0x3FB2]  }
0x2a: {  	p0 =	seq.s32 s5, $0x0;
	s5 =	sld [smem:$0x3FB3]  }
0x2b: {  	s6 =	sld [smem:$0x3FB4]  }
0x2c: {  	s7 =	sld [smem:$0x3FB5]  }
0x2d: {  	s3 =	simm.s32 $0x108;
	s8 =	sld [smem:$0x3FB6]  }
0x2e: {  	s3 =	simm.s32 @!p0 $0x1082;
	s9 =	sld [smem:$0x3FB7]  }
0x2f: {  	lr =	sadd.s32 s0, s3;
	s0 =	sld [smem:$0x3FAE]  }
0x30: {  	s3 =	sld [smem:$0x3FB1]  }
0x31: {  	[smem:$0x3FBA] =	sst s10  }
0x32: {  	s10 =	sld [smem:$0x3FB8];
	_ =	sdelay $0x3  }
0x33: {  	p0 =	seq.s32 s10, $0x1;
	s10 =	sld [smem:$0x3FBA];
	_ =	sdelay $0x3  }
0x34: {  	[smem:$0x3FBA] =	sst s10  }
0x35: {  	s10 =	sld [smem:$0x3FB9];
	_ =	sdelay $0x3  }
0x36: {  	p1 =	seq.s32 s10, $0x1;
	s10 =	sld [smem:$0x3FBA];
	_ =	sdelay $0x3  }
0x37: {  	[smem:$0x3FBA] =	sst s10  }
0x38: {  	s10 =	sld [smem:$0x3FBB]  }
0x39: {  	_ = 	snop;
	(pc) =	sbr.ind lr, $3  }
0x3a: {  	_ = 	snop  }
0x3b: {  	_ = 	snop  }
0x3c: {  	p2 =	seq.s32 s10, $0x1;
	s10 =	sld [smem:$0x3FBA]  }
0x3d: {  	_ =	shalt  }
0x3e: {  	_ =	shalt  }
0x3f: {  	_ =	shalt  }
0x40: {  	_ =	shalt  }
0x41: {  	_ =	shalt  }
0x42: {  	_ =	shalt  }
0x43: {  	_ =	shalt  }
0x44: {  	_ =	shalt  }
0x45: {  	_ =	shalt  }
0x46: {  	_ =	shalt  }
0x47: {  	_ =	shalt  }
0x48: {  	_ =	shalt  }
0x49: {  	_ =	shalt  }
0x4a: {  	_ =	shalt  }
0x4b: {  	_ =	shalt  }
0x4c: {  	_ =	shalt  }
0x4d: {  	_ =	shalt  }
0x4e: {  	_ =	shalt  }
0x4f: {  	_ =	shalt  }
0x50: {  	_ =	shalt  }
0x51: {  	_ =	shalt  }
0x52: {  	_ =	shalt  }
0x53: {  	_ =	shalt  }
0x54: {  	_ =	shalt  }
0x55: {  	_ =	shalt  }
0x56: {  	_ =	shalt  }
0x57: {  	_ =	shalt  }
0x58: {  	_ =	shalt  }
0x59: {  	_ =	shalt  }
0x5a: {  	_ =	shalt  }
0x5b: {  	_ =	shalt  }
0x5c: {  	_ =	shalt  }
0x5d: {  	_ =	shalt  }
0x5e: {  	_ =	shalt  }
0x5f: {  	_ =	shalt  }
0x60: {  	_ =	shalt  }
0x61: {  	_ =	shalt  }
0x62: {  	_ =	shalt  }
0x63: {  	_ =	shalt  }
0x64: {  	_ =	shalt  }
0x65: {  	_ =	shalt  }
0x66: {  	_ =	shalt  }
0x67: {  	_ =	shalt  }
0x68: {  	_ =	shalt  }
0x69: {  	_ =	shalt  }
0x6a: {  	_ =	shalt  }
0x6b: {  	_ =	shalt  }
0x6c: {  	_ =	shalt  }
0x6d: {  	_ =	shalt  }
0x6e: {  	_ =	shalt  }
0x6f: {  	_ =	shalt  }
0x70: {  	_ =	shalt  }
0x71: {  	_ =	shalt  }
0x72: {  	_ =	shalt  }
0x73: {  	_ =	shalt  }
0x74: {  	_ =	shalt  }
0x75: {  	_ =	shalt  }
0x76: {  	_ =	shalt  }
0x77: {  	_ =	shalt  }
0x78: {  	_ =	shalt  }
0x79: {  	_ =	shalt  }
0x7a: {  	_ =	shalt  }
0x7b: {  	_ =	shalt  }
0x7c: {  	_ =	shalt  }
0x7d: {  	_ =	shalt  }
0x7e: {  	_ =	shalt  }
0x7f: {  	_ =	shalt  }
0x80: {  	_ =	shalt  }
0x81: {  	_ =	shalt  }
0x82: {  	_ =	shalt  }
0x83: {  	_ =	shalt  }
0x84: {  	_ =	shalt  }
0x85: {  	_ =	shalt  }
0x86: {  	_ =	shalt  }
0x87: {  	_ =	shalt  }
.Lfunc_end0:
.L_simem_size_0:
called_computation_lowered:
.L_overlay_start_0:
0x88: {  	s2 =	sld [smem:$0x3FD9]  }
0x89: {  	s3 =	sld [smem:$0x3FFE];
	_ =	sdelay $0x1  }
0x8a: {  	s1 =	srdreg.scid  }
0x8b: {  	s0 =	sand.u32 $0x1, s1  }
0x8c: {  	s17 =	sshll.u32 s0, $0xA;
	s2 =	sadd.s32 s3, s2  }
0x8d: {  	s2 =	sadd.s32 s2, s17  }
0x8e: {  	[smem:$0x3FC6] =	sst s2  }
0x8f: {  	_ = 	snop  }
0x90: {  	s2 =	sld [smem:$0x3FC9]  }
0x91: {  	s18 =	sld [smem:$0x3FC8];
	(tm) =	ssettm $0x1  }
0x92: {  	s4 =	sld [smem:$0x3FFB];
	_ =	sdelay $0x3  }
0x93: {  	_ =	strace s4  }
0x94: {  	s4 =	sld [smem:$0x3FFC];
	_ =	sdelay $0x3  }
0x95: {  	_ =	strace s4  }
0x96: {  	s4 =	sld [smem:$0x3FFD];
	_ =	sdelay $0x3  }
0x97: {  	_ =	strace s4  }
0x98: {  	_ =	strace $0x8FFFFFFF  }
0x99: {  	s19 =	sld [smem:$0x3FDB];
	_ =	sdelay $0x1  }
0x9a: {  	s5 =	simm.s32 $_scs_section_size  }
0x9b: {  	s6 =	simm.s32 $_size__tile_overlayer_lowered;
	s7 =	simm.s32 $_tile_overlayer_lowered  }
0x9c: {  	s22 =	simm.s32 $0x1BFF;
	s21 =	sshll.u32 s7, $0x1;
	s4 =	sadd.s32 s5, s19  }
0x9d: {  	s8 =	simm.s32 $0x0;
	s20 =	sshll.u32 s6, $0x1;
	s6 =	sadd.s32 s21, s4  }
0x9e: {  	[timem:s8], [sflag:s22] =	dma.local [hbm:s6], s20  }
0x9f: {  	_ =	swait.ge [sflag:s22], s20  }
0xa0: {  	s5 =	ssub.s32 $0x0, s20;
	[sflag:s22] =	ssyncset.done $0x0  }
0xa1: {  	[sflag:s22] =	ssyncadd.s32 s5;
	_ =	sdelay $0x1  }
0xa2: {  	s23 =	simm.s32 $0x1B8B  }
0xa3: {  	_ =	swait.ge [sflag:s23], $0x1  }
0xa4: {  	[sflag:s23] =	ssyncset.done $0x0  }
0xa5: {  	s25 =	simm.s32 $0x1B8E;
	s24 =	sld [smem:$0x3FFE];
	[sflag:s23] =	ssyncadd.s32 $0xFFFFFFFF  }
0xa6: {  	s26 =	simm.s32 $execute0_lowered;
	[smem:$0x3FD2] =	sst s25  }
0xa7: {  	s6 =	sshll.u32 s26, $0x1;
	_ =	strace $0x80000046;
	[dreg:$0x1] =	wrdreg $0xFFFFFFFF  }
0xa8: {  	s28 =	simm.s32 $_size_execute0_lowered;
	s4 =	sadd.s32 s4, s6;
	[dreg:$0x0] =	wrdreg $0x0  }
0xa9: {  	s6 =	sshll.u32 s28, $0x1;
	[dreg:$0x2] =	wrdreg s4  }
0xaa: {  	[dreg:$0x3] =	wrdreg s6  }
0xab: {  	[dreg:$0x4] =	wrdreg $0xC0  }
0xac: {  	_ =	task [dreg:s8], $0x5FFFF  }
0xad: {  	[dreg:$0x1] =	wrdreg $0xFFFFFFFF  }
0xae: {  	[dreg:$0x0] =	wrdreg $0x60  }
0xaf: {  	[dreg:$0x2] =	wrdreg s2  }
0xb0: {  	[dreg:$0x3] =	wrdreg s18  }
0xb1: {  	[dreg:$0x4] =	wrdreg s24  }
0xb2: {  	[dreg:$0x5] =	wrdreg $0x117000  }
0xb3: {  	[dreg:$0x6] =	wrdreg $0x120600  }
0xb4: {  	[dreg:$0x7] =	wrdreg $0x9  }
0xb5: {  	_ =	task.clear_ibuf [dreg:s8], $0x8FFFF;
	_ =	strace $0x90000046  }
0xb6: {  	s29 =	simm.s32 $0x9;
	_ =	strace $0x80000048  }
0xb7: {  	_ =	swait.ge [sflag:s29], $0x1  }
0xb8: {  	[sflag:s29] =	ssyncadd.s32 $0xFFFFFFFF  }
0xb9: {  	_ =	strace $0x90000048  }
0xba: {  	_ =	sfence  }
0xbb: {  	s30 =	sld [smem:$0x0];
	_ =	sdelay $0x2  }
0xbc: {  	s31 =	sshll.u32 s1, $0xD;
	s1 =	sshrl.u32 s1, $0x2  }
0xbd: {  	s3 =	sand.u32 $0x4000, s31;
	s1 =	sadd.s32 s1, s30  }
0xbe: {  	s0 =	sor.u32 s3, s0;
	s1 =	sshll.u32 s1, $0x11  }
0xbf: {  	s0 =	sor.u32 s1, s0  }
0xc0: {  	s0 =	sadd.s32 $0x8F2B, s0  }
0xc1: {  	[sflag:s0] =	ssyncadd.remote.s32 $0x1  }
0xc2: {  	_ =	sfence.sel $0xFFFF  }
0xc3: {  	[dreg:$0x0] =	wrdreg $0xFFFFFFFF;
	(pc) =	sbr.abs _section_cstart, $3  }
0xc4: {  	[dreg:$0x1] =	wrdreg $0xFFFFFFFF  }
0xc5: {  	_ =	task.clear_ibuf [dreg:s8], $0x2FFFF;
	_ =	strace $0x9FFFFFFF  }
0xc6: {  	(tm) =	ssettm $0x7FFFFFFF  }
0xc7: {  	_ =	shalt  }
tec
execute0_lowered:
.L_overlay_start_1:
0x0: {  	(tag) =	ssettag $0x1  }
0x1: {  	s0 =	rddreg [dreg:$0x0]  }
0x2: {  	s1 =	rddreg [dreg:$0x1]  }
0x3: {  	s3 =	rddreg [dreg:$0x2]  }
0x4: {  	s12 =	rddreg [dreg:$0x3]  }
0x5: {  	s16 =	rddreg [dreg:$0x4]  }
0x6: {  	s2 =	simm.s32 $0x0;
	s4 =	srdreg.scid;
	s25 =	stileid.u32  }
0x7: {  	s17 =	simm.s32 $0x1;
	s18 =	simm.s32 $0x3;
	s19 =	simm.s32 $0x4000  }
0x8: {  	s20 =	simm.s32 $0xC000;
	s21 =	simm.s32 $0x10000;
	s22 =	simm.s32 $0x10A80  }
0x9: {  	s30 =	simm.s32 $0x0;
	[smem:$0x7FF] =	sst s2;
	s11 =	smul.u32 $0x780, s25  }
0xa: {  	s4 =	sand.u32 $0x1, s4;
	s6 =	sshll.u32 s25, $0xD;
	s13 =	smul.u32 $0x1E00, s25  }
0xb: {  	s28 =	sshll.u32 s25, $0x4;
	p1 =	slt.u32 s25, $0x4;
	p0 =	sne.s32 s25, $0x0  }
0xc: {  	_ =	strace $0x80000047;
	s5 =	ssub.s32 $0x2, s4;
	s7 =	sshll.u32 s4, $0x11  }
0xd: {  	s4 =	sshll.u32 s4, $0x1;
	s31 =	sadd.s32 s28, s16;
	s16 =	simm.s32 $0x8000  }
0xe: {  	s8 =	sshrl.u32 s5, $0x1;
	s9 =	sor.u32 s7, s6;
	s14 =	sadd.s32 s4, s3  }
0xf: {  	s24 =	sshrl.u32 s11, $0x2;
	s26 =	sshrl.u32 s13, $0x2;
	[dreg:$0x7] =	wrdreg s31  }
0x10: {  	s15 =	ssub.s32 s5, s8;
	s6 =	sor.u32 $0x800, s9;
	s3 =	sadd.s32 s0, s9  }
0x11: {  	s4 =	sadd.s32 s1, s9;
	s23 =	sor.u32 $0x1000, s9;
	s10 =	sor.u32 $0x1800, s9  }
.Ltmp0:
0x12: {  	s11 =	sadd.s32 s24, s12;
	s29 =	sadd.s32 s26, s12;
	(pc) =	sbr.rel .LBB2_1-.Ltmp0, $4  }
0x13: {  	s14 =	sadd.s32 $0x600, s14;
	s24 =	simm.s32 $0x4;
	s26 =	simm.s32 $0x5  }
0x14: {  	s5 =	sadd.s32 s0, s6;
	s6 =	sadd.s32 s1, s6;
	s7 =	sadd.s32 s0, s23  }
0x15: {  	v0 =	vlaneseq.u32;
	s8 =	sadd.s32 s1, s23;
	s9 =	sadd.s32 s0, s10;
	s10 =	sadd.s32 s1, s10  }
0x16: {  	v1 =	vimm.s32 $0x0;
	v2 =	vimm.s32 $0x1;
	v3 =	vmul.u32 $0xA1, v0;
	[dreg:$0x6] =	wrdreg s29;
	s15 =	smax.u32 s15, $0x1;
	s23 =	simm.s32 $0x2  }
.LBB2_16:
0x17: {  	[bflag:$0x0] =	sbarrier.arrive $0xFFFF  }
.LBB2_20:
0x18: {  	s30 =	sadd.s32 $0x1, s30  }
0x19: {  	p2 =	sne.s32 s30, s15  }
.Ltmp1:
0x1a: {  	_ = 	snop;
	(pc) =	sbr.rel @!p2 .LBB2_21-.Ltmp1, $1  }
0x1b: {  	_ =	sdelay $0x3  }
.LBB2_1:
0x1c: {  	[tilespmem:s2], [sflag:$0x1] =	stream.linear.gather [hbm4b:s3+s2], $0x4000, $0x38;
	[tilespmem:$0x12168] =	vst v63  }
0x1d: {  	s0 =	simm.s32 $0x10040  }
0x1e: {  	[tilespmem:s16], [sflag:$0x3] =	stream.linear.gather [hbm4b:s4+s2], $0x4000, $0x38;
	[tilespmem:$0x12168] =	vst v63  }
0x1f: {  	[tilespmem:s0+$0x30] =	vst v1  }
0x20: {  	[tilespmem:s0+$0xFFFFFFF0] =	vst v1  }
0x21: {  	[tilespmem:s0+$0xFFFFFFC0] =	vst v1  }
0x22: {  	[tilespmem:s0+$0xFFFFFFE0] =	vst v1  }
0x23: {  	[tilespmem:s0+$0x10] =	vst v1  }
0x24: {  	[tilespmem:s0+$0x20] =	vst v1  }
0x25: {  	[tilespmem:s0+$0x0] =	vst v1  }
0x26: {  	s1 =	simm.s32 $0x10AC0;
	[tilespmem:s0+$0xFFFFFFD0] =	vst v1  }
0x27: {  	[tilespmem:s1+$0xFFFFFFC0] =	vst v1  }
0x28: {  	[tilespmem:s1+$0x30] =	vst v1  }
0x29: {  	[tilespmem:s1+$0x20] =	vst v1  }
0x2a: {  	[tilespmem:s1+$0x10] =	vst v1  }
0x2b: {  	[tilespmem:s1+$0xFFFFFFE0] =	vst v1  }
0x2c: {  	[tilespmem:s1+$0x0] =	vst v1  }
0x2d: {  	s28 =	simm.s32 $0x0;
	[tilespmem:s1+$0xFFFFFFF0] =	vst v1  }
.LBB2_2:
0x2e: {  	s28 =	sadd.s32 $0x8, s28;
	[tilespmem:s1+$0xFFFFFFD0] =	vst v1;
	s0 =	sadd.s32 $0x80, s0;
	s1 =	sadd.s32 $0x80, s1  }
0x2f: {  	[tilespmem:s0+$0x30] =	vst v1;
	p2 =	slt.u32 s28, $0x98  }
0x30: {  	[tilespmem:s0+$0xFFFFFFF0] =	vst v1  }
0x31: {  	[tilespmem:s0+$0xFFFFFFC0] =	vst v1  }
0x32: {  	[tilespmem:s1+$0xFFFFFFC0] =	vst v1  }
0x33: {  	[tilespmem:s1+$0x30] =	vst v1  }
0x34: {  	[tilespmem:s0+$0xFFFFFFE0] =	vst v1  }
0x35: {  	[tilespmem:s0+$0x10] =	vst v1  }
0x36: {  	[tilespmem:s0+$0x20] =	vst v1  }
0x37: {  	[tilespmem:s1+$0x20] =	vst v1  }
0x38: {  	[tilespmem:s1+$0x10] =	vst v1  }
.Ltmp2:
0x39: {  	[tilespmem:s1+$0xFFFFFFE0] =	vst v1;
	(pc) =	sbr.rel @p2 .LBB2_2-.Ltmp2, $4  }
0x3a: {  	[tilespmem:s0+$0x0] =	vst v1  }
0x3b: {  	[tilespmem:s1+$0x0] =	vst v1  }
0x3c: {  	[tilespmem:s1+$0xFFFFFFF0] =	vst v1  }
0x3d: {  	[tilespmem:s0+$0xFFFFFFD0] =	vst v1  }
0x3e: {  	[tilespmem:s1+$0xFFFFFFD0] =	vst v1  }
0x3f: {  	[tilespmem:$0x10A00] =	vst v1  }
0x40: {  	[tilespmem:$0x11480] =	vst v1  }
0x41: {  	_ =	swait.ge [sflag:s17], $0x4000  }
0x42: {  	[sflag:s17] =	ssyncset.done $0x0  }
0x43: {  	s0 =	simm.s32 $0x0;
	[sflag:s17] =	ssyncadd.s32 $0xFFFFC000  }
0x44: {  	s31 =	simm.s32 $0x0;
	s29 =	simm.s32 $0x0;
	_ =	swait.ge [sflag:s18], $0x4000  }
0x45: {  	s1 =	sand.u32 $0x3000, s31;
	s28 =	sand.u32 $0xC00, s0;
	[sflag:s18] =	ssyncset.done $0x0  }
0x46: {  	s1 =	sor.u32 s28, s1;
	s28 =	sand.u32 $0x380, s29;
	[sflag:s18] =	ssyncadd.s32 $0xFFFFC000  }
0x47: {  	[tilespmem:s19], [sflag:$0x2] =	stream.linear.gather [hbm4b:s5+s0], $0x4000, $0x38;
	[tilespmem:$0x12168] =	vst v63  }
0x48: {  	s1 =	sor.u32 s28, s1  }
0x49: {  	[tilespmem:s20], [sflag:$0x4] =	stream.linear.gather [hbm4b:s6+s0], $0x4000, $0x38;
	[tilespmem:$0x12168] =	vst v63  }
0x4a: {  	v4 =	vld [tilespmem:s1+$0x70]  }
0x4b: {  	v5 =	vld [tilespmem:s1+$0x8070]  }
0x4c: {  	v6 =	vld [tilespmem:s1+$0x0]  }
0x4d: {  	v7 =	vld [tilespmem:s1+$0x8000]  }
0x4e: {  	v8 =	vld [tilespmem:s1+$0x10]  }
0x4f: {  	v9 =	vld [tilespmem:s1+$0x8010]  }
0x50: {  	v11 =	vld [tilespmem:s1+$0x20]  }
0x51: {  	v13 =	vld [tilespmem:s1+$0x8020]  }
0x52: {  	v14 =	vld [tilespmem:s1+$0x30]  }
0x53: {  	v61 =	vld [tilespmem:s1+$0x8040];
	v10 =	vadd.s32 v3, v4  }
0x54: {  	v16 =	vld [tilespmem:s1+$0x50]  }
0x55: {  	v18 =	vld [tilespmem:s1+$0x8050]  }
0x56: {  	v21 =	vld [tilespmem:s1+$0x8060];
	v12 =	vadd.s32 v3, v5;
	vm0 =	veq.s32 v4, v5  }
0x57: {  	v4 =	vld [tilespmem:s1+$0x8030];
	v17 =	vadd.s32 v3, v8;
	v5 =	vsel vm0, $0x10001, v2  }
0x58: {  	[tilespmem:v10+s21+$0x0] =	vst.idx.add.s32.msk $0xffff, v5;
	v10 =	vadd.s32 v3, v6  }
0x59: {  	v15 =	vadd.s32 v3, v7;
	v20 =	vadd.s32 v3, v11;
	v5 =	vld [tilespmem:s1+$0x40]  }
0x5a: {  	vm9 =	veq.s32 v6, v7;
	v7 =	vld [tilespmem:s1+$0x60];
	vm10 =	veq.s32 v8, v9;
	v8 =	vadd.s32 v3, v13  }
0x5b: {  	v6 =	vadd.s32 v3, v9;
	v9 =	vsel vm10, $0x10001, v2;
	[tilespmem:v12+s22+$0x0] =	vst.idx.add.s32.msk $0xffff, v2  }
0x5c: {  	vm11 =	veq.s32 v11, v13;
	v19 =	vsel vm9, $0x10001, v2;
	[tilespmem:v17+s21+$0x0] =	vst.idx.add.s32.msk $0xffff, v9  }
0x5d: {  	v9 =	vsel vm11, $0x10001, v2;
	[tilespmem:v10+s21+$0x0] =	vst.idx.add.s32.msk $0xffff, v19;
	v10 =	vadd.s32 v3, v14  }
0x5e: {  	[tilespmem:v20+s21+$0x0] =	vst.idx.add.s32.msk $0xffff, v9;
	v62 =	vadd.s32 v3, v5  }
0x5f: {  	v11 =	vadd.s32 v3, v4;
	[tilespmem:v8+s22+$0x0] =	vst.idx.add.s32.msk $0xffff, v2  }
0x60: {  	vm12 =	veq.s32 v14, v4;
	v4 =	vadd.s32 v3, v61;
	[tilespmem:v6+s22+$0x0] =	vst.idx.add.s32.msk $0xffff, v2  }
0x61: {  	v6 =	vsel vm12, $0x10001, v2;
	vm13 =	veq.s32 v5, v61;
	v5 =	vadd.s32 v3, v16;
	[tilespmem:v15+s22+$0x0] =	vst.idx.add.s32.msk $0xffff, v2  }
0x62: {  	vm14 =	veq.s32 v16, v18;
	v63 =	vsel vm13, $0x10001, v2;
	[tilespmem:v10+s21+$0x0] =	vst.idx.add.s32.msk $0xffff, v6;
	v6 =	vadd.s32 v3, v18  }
0x63: {  	vm15 =	veq.s32 v7, v21;
	v7 =	vadd.s32 v3, v7;
	[tilespmem:v62+s21+$0x0] =	vst.idx.add.s32.msk $0xffff, v63  }
0x64: {  	s28 =	simm.s32 $0x0;
	v9 =	vsel vm14, $0x10001, v2;
	v8 =	vadd.s32 v3, v21;
	v10 =	vsel vm15, $0x10001, v2;
	[tilespmem:v11+s22+$0x0] =	vst.idx.add.s32.msk $0xffff, v2  }
.LBB2_4:
0x65: {  	s28 =	sadd.s32 $0x8, s28;
	[tilespmem:v4+s22+$0x0] =	vst.idx.add.s32.msk $0xffff, v2  }
0x66: {  	s0 =	sadd.s32 $0x400, s0;
	s1 =	sshll.u32 s28, $0x4;
	p2 =	slt.u32 s28, $0x3F8;
	[tilespmem:v5+s21+$0x0] =	vst.idx.add.s32.msk $0xffff, v9  }
0x67: {  	s29 =	sand.u32 $0xC00, s0;
	s31 =	sshll.u32 s28, $0x2;
	s1 =	sand.u32 $0x3000, s1;
	[tilespmem:v6+s22+$0x0] =	vst.idx.add.s32.msk $0xffff, v2  }
0x68: {  	s1 =	sor.u32 s29, s1;
	s29 =	sand.u32 $0x380, s31;
	[tilespmem:v7+s21+$0x0] =	vst.idx.add.s32.msk $0xffff, v10  }
0x69: {  	s1 =	sor.u32 s29, s1;
	[tilespmem:v8+s22+$0x0] =	vst.idx.add.s32.msk $0xffff, v2  }
0x6a: {  	v4 =	vld [tilespmem:s1+$0x70]  }
0x6b: {  	v5 =	vld [tilespmem:s1+$0x8070]  }
0x6c: {  	v6 =	vld [tilespmem:s1+$0x0]  }
0x6d: {  	v7 =	vld [tilespmem:s1+$0x8000]  }
0x6e: {  	v8 =	vld [tilespmem:s1+$0x10]  }
0x6f: {  	v9 =	vld [tilespmem:s1+$0x8010];
	v10 =	vadd.s32 v3, v4  }
0x70: {  	v11 =	vld [tilespmem:s1+$0x20];
	v12 =	vadd.s32 v3, v5  }
0x71: {  	v13 =	vadd.s32 v3, v6;
	v14 =	vld [tilespmem:s1+$0x8020]  }
0x72: {  	vm1 =	veq.s32 v4, v5;
	vm0 =	veq.s32 v6, v7;
	v6 =	vadd.s32 v3, v7;
	v7 =	vld [tilespmem:s1+$0x30]  }
0x73: {  	v16 =	vsel vm1, $0x10001, v2;
	v4 =	vsel vm0, $0x10001, v2;
	v15 =	vadd.s32 v3, v8;
	v5 =	vld [tilespmem:s1+$0x8030]  }
0x74: {  	vm0 =	veq.s32 v8, v9;
	v8 =	vadd.s32 v3, v9;
	[tilespmem:v10+s21+$0x0] =	vst.idx.add.s32.msk $0xffff, v16  }
0x75: {  	v9 =	vsel vm0, $0x10001, v2;
	v10 =	vadd.s32 v3, v11;
	[tilespmem:v12+s22+$0x0] =	vst.idx.add.s32.msk $0xffff, v2  }
0x76: {  	vm0 =	veq.s32 v11, v14;
	v11 =	vadd.s32 v3, v14;
	v12 =	vld [tilespmem:s1+$0x40]  }
0x77: {  	v14 =	vsel vm0, $0x10001, v2;
	v16 =	vadd.s32 v3, v7;
	v17 =	vld [tilespmem:s1+$0x8040]  }
0x78: {  	vm0 =	veq.s32 v7, v5;
	v18 =	vadd.s32 v3, v5;
	v7 =	vld [tilespmem:s1+$0x50]  }
0x79: {  	v19 =	vsel vm0, $0x10001, v2;
	v20 =	vld [tilespmem:s1+$0x8050]  }
0x7a: {  	v21 =	vld [tilespmem:s1+$0x60]  }
0x7b: {  	v22 =	vadd.s32 v3, v12;
	v23 =	vld [tilespmem:s1+$0x8060]  }
0x7c: {  	[tilespmem:v13+s21+$0x0] =	vst.idx.add.s32.msk $0xffff, v4;
	vm0 =	veq.s32 v12, v17;
	v4 =	vadd.s32 v3, v17  }
0x7d: {  	[tilespmem:v6+s22+$0x0] =	vst.idx.add.s32.msk $0xffff, v2;
	v12 =	vsel vm0, $0x10001, v2;
	v5 =	vadd.s32 v3, v7  }
0x7e: {  	[tilespmem:v15+s21+$0x0] =	vst.idx.add.s32.msk $0xffff, v9;
	vm0 =	veq.s32 v7, v20;
	v6 =	vadd.s32 v3, v20  }
0x7f: {  	[tilespmem:v8+s22+$0x0] =	vst.idx.add.s32.msk $0xffff, v2;
	v9 =	vsel vm0, $0x10001, v2;
	v7 =	vadd.s32 v3, v21  }
.Ltmp3:
0x80: {  	[tilespmem:v10+s21+$0x0] =	vst.idx.add.s32.msk $0xffff, v14;
	vm0 =	veq.s32 v21, v23;
	v8 =	vadd.s32 v3, v23;
	(pc) =	sbr.rel @p2 .LBB2_4-.Ltmp3, $4  }
0x81: {  	[tilespmem:v11+s22+$0x0] =	vst.idx.add.s32.msk $0xffff, v2;
	v10 =	vsel vm0, $0x10001, v2  }
0x82: {  	[tilespmem:v16+s21+$0x0] =	vst.idx.add.s32.msk $0xffff, v19  }
0x83: {  	[tilespmem:v18+s22+$0x0] =	vst.idx.add.s32.msk $0xffff, v2  }
0x84: {  	[tilespmem:v22+s21+$0x0] =	vst.idx.add.s32.msk $0xffff, v12  }
0x85: {  	_ =	sdelay $0x3  }
0x86: {  	[tilespmem:v4+s22+$0x0] =	vst.idx.add.s32.msk $0xffff, v2  }
0x87: {  	[tilespmem:v5+s21+$0x0] =	vst.idx.add.s32.msk $0xffff, v9  }
0x88: {  	[tilespmem:v7+s21+$0x0] =	vst.idx.add.s32.msk $0xffff, v10  }
0x89: {  	[tilespmem:v6+s22+$0x0] =	vst.idx.add.s32.msk $0xffff, v2  }
0x8a: {  	[tilespmem:v8+s22+$0x0] =	vst.idx.add.s32.msk $0xffff, v2  }
0x8b: {  	_ =	swait.ge [sflag:s23], $0x4000  }
0x8c: {  	[sflag:s23] =	ssyncset.done $0x0  }
0x8d: {  	s0 =	simm.s32 $0x0;
	[sflag:s23] =	ssyncadd.s32 $0xFFFFC000  }
0x8e: {  	s1 =	simm.s32 $0x0;
	s29 =	simm.s32 $0x0;
	_ =	swait.ge [sflag:s24], $0x4000  }
0x8f: {  	s1 =	sand.u32 $0x3000, s1;
	s28 =	sand.u32 $0xC00, s0;
	[sflag:s24] =	ssyncset.done $0x0  }
0x90: {  	s1 =	sor.u32 s28, s1;
	s28 =	sand.u32 $0x380, s29;
	[sflag:s24] =	ssyncadd.s32 $0xFFFFC000  }
0x91: {  	[tilespmem:s0], [sflag:$0x1] =	stream.linear.gather [hbm4b:s7+s0], $0x4000, $0x38;
	[tilespmem:$0x12168] =	vst v63  }
0x92: {  	s1 =	sor.u32 s28, s1  }
0x93: {  	[tilespmem:s16], [sflag:$0x3] =	stream.linear.gather [hbm4b:s8+s0], $0x4000, $0x38;
	[tilespmem:$0x12168] =	vst v63  }
0x94: {  	v4 =	vld [tilespmem:s1+$0x4070]  }
0x95: {  	v5 =	vld [tilespmem:s1+$0xC070]  }
0x96: {  	v6 =	vld [tilespmem:s1+$0x4000]  }
0x97: {  	v7 =	vld [tilespmem:s1+$0xC000]  }
0x98: {  	v8 =	vld [tilespmem:s1+$0x4010]  }
0x99: {  	v9 =	vld [tilespmem:s1+$0xC010]  }
0x9a: {  	v11 =	vld [tilespmem:s1+$0x4020]  }
0x9b: {  	v13 =	vld [tilespmem:s1+$0xC020]  }
0x9c: {  	v14 =	vld [tilespmem:s1+$0x4030]  }
0x9d: {  	v61 =	vld [tilespmem:s1+$0xC040];
	v10 =	vadd.s32 v3, v4  }
0x9e: {  	v16 =	vld [tilespmem:s1+$0x4050]  }
0x9f: {  	v18 =	vld [tilespmem:s1+$0xC050]  }
0xa0: {  	v21 =	vld [tilespmem:s1+$0xC060];
	v12 =	vadd.s32 v3, v5;
	vm0 =	veq.s32 v4, v5  }
0xa1: {  	v4 =	vld [tilespmem:s1+$0xC030];
	v17 =	vadd.s32 v3, v8;
	v5 =	vsel vm0, $0x10001, v2  }
0xa2: {  	[tilespmem:v10+s21+$0x0] =	vst.idx.add.s32.msk $0xffff, v5;
	v10 =	vadd.s32 v3, v6  }
0xa3: {  	v15 =	vadd.s32 v3, v7;
	v20 =	vadd.s32 v3, v11;
	v5 =	vld [tilespmem:s1+$0x4040]  }
0xa4: {  	vm9 =	veq.s32 v6, v7;
	v7 =	vld [tilespmem:s1+$0x4060];
	vm10 =	veq.s32 v8, v9;
	v8 =	vadd.s32 v3, v13  }
0xa5: {  	v6 =	vadd.s32 v3, v9;
	v9 =	vsel vm10, $0x10001, v2;
	[tilespmem:v12+s22+$0x0] =	vst.idx.add.s32.msk $0xffff, v2  }
0xa6: {  	vm11 =	veq.s32 v11, v13;
	v19 =	vsel vm9, $0x10001, v2;
	[tilespmem:v17+s21+$0x0] =	vst.idx.add.s32.msk $0xffff, v9  }
0xa7: {  	v9 =	vsel vm11, $0x10001, v2;
	[tilespmem:v10+s21+$0x0] =	vst.idx.add.s32.msk $0xffff, v19;
	v10 =	vadd.s32 v3, v14  }
0xa8: {  	[tilespmem:v20+s21+$0x0] =	vst.idx.add.s32.msk $0xffff, v9;
	v62 =	vadd.s32 v3, v5  }
0xa9: {  	v11 =	vadd.s32 v3, v4;
	[tilespmem:v8+s22+$0x0] =	vst.idx.add.s32.msk $0xffff, v2  }
0xaa: {  	vm12 =	veq.s32 v14, v4;
	v4 =	vadd.s32 v3, v61;
	[tilespmem:v6+s22+$0x0] =	vst.idx.add.s32.msk $0xffff, v2  }
0xab: {  	v6 =	vsel vm12, $0x10001, v2;
	vm13 =	veq.s32 v5, v61;
	v5 =	vadd.s32 v3, v16;
	[tilespmem:v15+s22+$0x0] =	vst.idx.add.s32.msk $0xffff, v2  }
0xac: {  	vm14 =	veq.s32 v16, v18;
	v63 =	vsel vm13, $0x10001, v2;
	[tilespmem:v10+s21+$0x0] =	vst.idx.add.s32.msk $0xffff, v6;
	v6 =	vadd.s32 v3, v18  }
0xad: {  	vm15 =	veq.s32 v7, v21;
	v7 =	vadd.s32 v3, v7;
	[tilespmem:v62+s21+$0x0] =	vst.idx.add.s32.msk $0xffff, v63  }
0xae: {  	s28 =	simm.s32 $0x0;
	v9 =	vsel vm14, $0x10001, v2;
	v8 =	vadd.s32 v3, v21;
	v10 =	vsel vm15, $0x10001, v2;
	[tilespmem:v11+s22+$0x0] =	vst.idx.add.s32.msk $0xffff, v2  }
.LBB2_6:
0xaf: {  	s28 =	sadd.s32 $0x8, s28;
	[tilespmem:v4+s22+$0x0] =	vst.idx.add.s32.msk $0xffff, v2  }
0xb0: {  	s0 =	sadd.s32 $0x400, s0;
	s1 =	sshll.u32 s28, $0x4;
	p2 =	slt.u32 s28, $0x3F8;
	[tilespmem:v5+s21+$0x0] =	vst.idx.add.s32.msk $0xffff, v9  }
0xb1: {  	s29 =	sand.u32 $0xC00, s0;
	s31 =	sshll.u32 s28, $0x2;
	s1 =	sand.u32 $0x3000, s1;
	[tilespmem:v6+s22+$0x0] =	vst.idx.add.s32.msk $0xffff, v2  }
0xb2: {  	s1 =	sor.u32 s29, s1;
	s29 =	sand.u32 $0x380, s31;
	[tilespmem:v7+s21+$0x0] =	vst.idx.add.s32.msk $0xffff, v10  }
0xb3: {  	s1 =	sor.u32 s29, s1;
	[tilespmem:v8+s22+$0x0] =	vst.idx.add.s32.msk $0xffff, v2  }
0xb4: {  	v4 =	vld [tilespmem:s1+$0x4070]  }
0xb5: {  	v5 =	vld [tilespmem:s1+$0xC070]  }
0xb6: {  	v6 =	vld [tilespmem:s1+$0x4000]  }
0xb7: {  	v7 =	vld [tilespmem:s1+$0xC000]  }
0xb8: {  	v8 =	vld [tilespmem:s1+$0x4010]  }
0xb9: {  	v9 =	vld [tilespmem:s1+$0xC010];
	v10 =	vadd.s32 v3, v4  }
0xba: {  	v11 =	vld [tilespmem:s1+$0x4020];
	v12 =	vadd.s32 v3, v5  }
0xbb: {  	v13 =	vadd.s32 v3, v6;
	v14 =	vld [tilespmem:s1+$0xC020]  }
0xbc: {  	vm1 =	veq.s32 v4, v5;
	vm0 =	veq.s32 v6, v7;
	v6 =	vadd.s32 v3, v7;
	v7 =	vld [tilespmem:s1+$0x4030]  }
0xbd: {  	v16 =	vsel vm1, $0x10001, v2;
	v4 =	vsel vm0, $0x10001, v2;
	v15 =	vadd.s32 v3, v8;
	v5 =	vld [tilespmem:s1+$0xC030]  }
0xbe: {  	vm0 =	veq.s32 v8, v9;
	v8 =	vadd.s32 v3, v9;
	[tilespmem:v10+s21+$0x0] =	vst.idx.add.s32.msk $0xffff, v16  }
0xbf: {  	v9 =	vsel vm0, $0x10001, v2;
	v10 =	vadd.s32 v3, v11;
	[tilespmem:v12+s22+$0x0] =	vst.idx.add.s32.msk $0xffff, v2  }
0xc0: {  	vm0 =	veq.s32 v11, v14;
	v11 =	vadd.s32 v3, v14;
	v12 =	vld [tilespmem:s1+$0x4040]  }
0xc1: {  	v14 =	vsel vm0, $0x10001, v2;
	v16 =	vadd.s32 v3, v7;
	v17 =	vld [tilespmem:s1+$0xC040]  }
0xc2: {  	vm0 =	veq.s32 v7, v5;
	v18 =	vadd.s32 v3, v5;
	v7 =	vld [tilespmem:s1+$0x4050]  }
0xc3: {  	v19 =	vsel vm0, $0x10001, v2;
	v20 =	vld [tilespmem:s1+$0xC050]  }
0xc4: {  	v21 =	vld [tilespmem:s1+$0x4060]  }
0xc5: {  	v22 =	vadd.s32 v3, v12;
	v23 =	vld [tilespmem:s1+$0xC060]  }
0xc6: {  	[tilespmem:v13+s21+$0x0] =	vst.idx.add.s32.msk $0xffff, v4;
	vm0 =	veq.s32 v12, v17;
	v4 =	vadd.s32 v3, v17  }
0xc7: {  	[tilespmem:v6+s22+$0x0] =	vst.idx.add.s32.msk $0xffff, v2;
	v12 =	vsel vm0, $0x10001, v2;
	v5 =	vadd.s32 v3, v7  }
0xc8: {  	[tilespmem:v15+s21+$0x0] =	vst.idx.add.s32.msk $0xffff, v9;
	vm0 =	veq.s32 v7, v20;
	v6 =	vadd.s32 v3, v20  }
0xc9: {  	[tilespmem:v8+s22+$0x0] =	vst.idx.add.s32.msk $0xffff, v2;
	v9 =	vsel vm0, $0x10001, v2;
	v7 =	vadd.s32 v3, v21  }
.Ltmp4:
0xca: {  	[tilespmem:v10+s21+$0x0] =	vst.idx.add.s32.msk $0xffff, v14;
	vm0 =	veq.s32 v21, v23;
	v8 =	vadd.s32 v3, v23;
	(pc) =	sbr.rel @p2 .LBB2_6-.Ltmp4, $4  }
0xcb: {  	[tilespmem:v11+s22+$0x0] =	vst.idx.add.s32.msk $0xffff, v2;
	v10 =	vsel vm0, $0x10001, v2  }
0xcc: {  	[tilespmem:v16+s21+$0x0] =	vst.idx.add.s32.msk $0xffff, v19  }
0xcd: {  	[tilespmem:v18+s22+$0x0] =	vst.idx.add.s32.msk $0xffff, v2  }
0xce: {  	[tilespmem:v22+s21+$0x0] =	vst.idx.add.s32.msk $0xffff, v12  }
0xcf: {  	_ =	sdelay $0x3  }
0xd0: {  	[tilespmem:v4+s22+$0x0] =	vst.idx.add.s32.msk $0xffff, v2  }
0xd1: {  	[tilespmem:v5+s21+$0x0] =	vst.idx.add.s32.msk $0xffff, v9  }
0xd2: {  	[tilespmem:v7+s21+$0x0] =	vst.idx.add.s32.msk $0xffff, v10  }
0xd3: {  	[tilespmem:v6+s22+$0x0] =	vst.idx.add.s32.msk $0xffff, v2  }
0xd4: {  	[tilespmem:v8+s22+$0x0] =	vst.idx.add.s32.msk $0xffff, v2  }
0xd5: {  	_ =	swait.ge [sflag:s17], $0x4000  }
0xd6: {  	[sflag:s17] =	ssyncset.done $0x0  }
0xd7: {  	s0 =	simm.s32 $0x0;
	[sflag:s17] =	ssyncadd.s32 $0xFFFFC000  }
0xd8: {  	s1 =	simm.s32 $0x0;
	s29 =	simm.s32 $0x0;
	_ =	swait.ge [sflag:s18], $0x4000  }
0xd9: {  	s1 =	sand.u32 $0x3000, s1;
	s28 =	sand.u32 $0xC00, s0;
	[sflag:s18] =	ssyncset.done $0x0  }
0xda: {  	s1 =	sor.u32 s28, s1;
	s28 =	sand.u32 $0x380, s29;
	[sflag:s18] =	ssyncadd.s32 $0xFFFFC000  }
0xdb: {  	[tilespmem:s19], [sflag:$0x2] =	stream.linear.gather [hbm4b:s9+s0], $0x4000, $0x38;
	[tilespmem:$0x12168] =	vst v63  }
0xdc: {  	s1 =	sor.u32 s28, s1  }
0xdd: {  	[tilespmem:s20], [sflag:$0x4] =	stream.linear.gather [hbm4b:s10+s0], $0x4000, $0x38;
	[tilespmem:$0x12168] =	vst v63  }
0xde: {  	v4 =	vld [tilespmem:s1+$0x70]  }
0xdf: {  	v5 =	vld [tilespmem:s1+$0x8070]  }
0xe0: {  	v6 =	vld [tilespmem:s1+$0x0]  }
0xe1: {  	v7 =	vld [tilespmem:s1+$0x8000]  }
0xe2: {  	v8 =	vld [tilespmem:s1+$0x10]  }
0xe3: {  	v9 =	vld [tilespmem:s1+$0x8010]  }
0xe4: {  	v11 =	vld [tilespmem:s1+$0x20]  }
0xe5: {  	v13 =	vld [tilespmem:s1+$0x8020]  }
0xe6: {  	v14 =	vld [tilespmem:s1+$0x30]  }
0xe7: {  	v61 =	vld [tilespmem:s1+$0x8040];
	v10 =	vadd.s32 v3, v4  }
0xe8: {  	v16 =	vld [tilespmem:s1+$0x50]  }
0xe9: {  	v18 =	vld [tilespmem:s1+$0x8050]  }
0xea: {  	v21 =	vld [tilespmem:s1+$0x8060];
	v12 =	vadd.s32 v3, v5;
	vm0 =	veq.s32 v4, v5  }
0xeb: {  	v4 =	vld [tilespmem:s1+$0x8030];
	v17 =	vadd.s32 v3, v8;
	v5 =	vsel vm0, $0x10001, v2  }
0xec: {  	[tilespmem:v10+s21+$0x0] =	vst.idx.add.s32.msk $0xffff, v5;
	v10 =	vadd.s32 v3, v6  }
0xed: {  	v15 =	vadd.s32 v3, v7;
	v20 =	vadd.s32 v3, v11;
	v5 =	vld [tilespmem:s1+$0x40]  }
0xee: {  	vm9 =	veq.s32 v6, v7;
	v7 =	vld [tilespmem:s1+$0x60];
	vm10 =	veq.s32 v8, v9;
	v8 =	vadd.s32 v3, v13  }
0xef: {  	v6 =	vadd.s32 v3, v9;
	v9 =	vsel vm10, $0x10001, v2;
	[tilespmem:v12+s22+$0x0] =	vst.idx.add.s32.msk $0xffff, v2  }
0xf0: {  	vm11 =	veq.s32 v11, v13;
	v19 =	vsel vm9, $0x10001, v2;
	[tilespmem:v17+s21+$0x0] =	vst.idx.add.s32.msk $0xffff, v9  }
0xf1: {  	v9 =	vsel vm11, $0x10001, v2;
	[tilespmem:v10+s21+$0x0] =	vst.idx.add.s32.msk $0xffff, v19;
	v10 =	vadd.s32 v3, v14  }
0xf2: {  	[tilespmem:v20+s21+$0x0] =	vst.idx.add.s32.msk $0xffff, v9;
	v62 =	vadd.s32 v3, v5  }
0xf3: {  	v11 =	vadd.s32 v3, v4;
	[tilespmem:v8+s22+$0x0] =	vst.idx.add.s32.msk $0xffff, v2  }
0xf4: {  	vm12 =	veq.s32 v14, v4;
	v4 =	vadd.s32 v3, v61;
	[tilespmem:v6+s22+$0x0] =	vst.idx.add.s32.msk $0xffff, v2  }
0xf5: {  	v6 =	vsel vm12, $0x10001, v2;
	vm13 =	veq.s32 v5, v61;
	v5 =	vadd.s32 v3, v16;
	[tilespmem:v15+s22+$0x0] =	vst.idx.add.s32.msk $0xffff, v2  }
0xf6: {  	vm14 =	veq.s32 v16, v18;
	v63 =	vsel vm13, $0x10001, v2;
	[tilespmem:v10+s21+$0x0] =	vst.idx.add.s32.msk $0xffff, v6;
	v6 =	vadd.s32 v3, v18  }
0xf7: {  	vm15 =	veq.s32 v7, v21;
	v7 =	vadd.s32 v3, v7;
	[tilespmem:v62+s21+$0x0] =	vst.idx.add.s32.msk $0xffff, v63  }
0xf8: {  	s28 =	simm.s32 $0x0;
	v9 =	vsel vm14, $0x10001, v2;
	v8 =	vadd.s32 v3, v21;
	v10 =	vsel vm15, $0x10001, v2;
	[tilespmem:v11+s22+$0x0] =	vst.idx.add.s32.msk $0xffff, v2  }
.LBB2_8:
0xf9: {  	s28 =	sadd.s32 $0x8, s28;
	[tilespmem:v4+s22+$0x0] =	vst.idx.add.s32.msk $0xffff, v2  }
0xfa: {  	s0 =	sadd.s32 $0x400, s0;
	s1 =	sshll.u32 s28, $0x4;
	p2 =	slt.u32 s28, $0x3F8;
	[tilespmem:v5+s21+$0x0] =	vst.idx.add.s32.msk $0xffff, v9  }
0xfb: {  	s29 =	sand.u32 $0xC00, s0;
	s31 =	sshll.u32 s28, $0x2;
	s1 =	sand.u32 $0x3000, s1;
	[tilespmem:v6+s22+$0x0] =	vst.idx.add.s32.msk $0xffff, v2  }
0xfc: {  	s1 =	sor.u32 s29, s1;
	s29 =	sand.u32 $0x380, s31;
	[tilespmem:v7+s21+$0x0] =	vst.idx.add.s32.msk $0xffff, v10  }
0xfd: {  	s1 =	sor.u32 s29, s1;
	[tilespmem:v8+s22+$0x0] =	vst.idx.add.s32.msk $0xffff, v2  }
0xfe: {  	v4 =	vld [tilespmem:s1+$0x70]  }
0xff: {  	v5 =	vld [tilespmem:s1+$0x8070]  }
0x100: {  	v6 =	vld [tilespmem:s1+$0x0]  }
0x101: {  	v7 =	vld [tilespmem:s1+$0x8000]  }
0x102: {  	v8 =	vld [tilespmem:s1+$0x10]  }
0x103: {  	v9 =	vld [tilespmem:s1+$0x8010];
	v10 =	vadd.s32 v3, v4  }
0x104: {  	v11 =	vld [tilespmem:s1+$0x20];
	v12 =	vadd.s32 v3, v5  }
0x105: {  	v13 =	vadd.s32 v3, v6;
	v14 =	vld [tilespmem:s1+$0x8020]  }
0x106: {  	vm1 =	veq.s32 v4, v5;
	vm0 =	veq.s32 v6, v7;
	v6 =	vadd.s32 v3, v7;
	v7 =	vld [tilespmem:s1+$0x30]  }
0x107: {  	v16 =	vsel vm1, $0x10001, v2;
	v4 =	vsel vm0, $0x10001, v2;
	v15 =	vadd.s32 v3, v8;
	v5 =	vld [tilespmem:s1+$0x8030]  }
0x108: {  	vm0 =	veq.s32 v8, v9;
	v8 =	vadd.s32 v3, v9;
	[tilespmem:v10+s21+$0x0] =	vst.idx.add.s32.msk $0xffff, v16  }
0x109: {  	v9 =	vsel vm0, $0x10001, v2;
	v10 =	vadd.s32 v3, v11;
	[tilespmem:v12+s22+$0x0] =	vst.idx.add.s32.msk $0xffff, v2  }
0x10a: {  	vm0 =	veq.s32 v11, v14;
	v11 =	vadd.s32 v3, v14;
	v12 =	vld [tilespmem:s1+$0x40]  }
0x10b: {  	v14 =	vsel vm0, $0x10001, v2;
	v16 =	vadd.s32 v3, v7;
	v17 =	vld [tilespmem:s1+$0x8040]  }
0x10c: {  	vm0 =	veq.s32 v7, v5;
	v18 =	vadd.s32 v3, v5;
	v7 =	vld [tilespmem:s1+$0x50]  }
0x10d: {  	v19 =	vsel vm0, $0x10001, v2;
	v20 =	vld [tilespmem:s1+$0x8050]  }
0x10e: {  	v21 =	vld [tilespmem:s1+$0x60]  }
0x10f: {  	v22 =	vadd.s32 v3, v12;
	v23 =	vld [tilespmem:s1+$0x8060]  }
0x110: {  	[tilespmem:v13+s21+$0x0] =	vst.idx.add.s32.msk $0xffff, v4;
	vm0 =	veq.s32 v12, v17;
	v4 =	vadd.s32 v3, v17  }
0x111: {  	[tilespmem:v6+s22+$0x0] =	vst.idx.add.s32.msk $0xffff, v2;
	v12 =	vsel vm0, $0x10001, v2;
	v5 =	vadd.s32 v3, v7  }
0x112: {  	[tilespmem:v15+s21+$0x0] =	vst.idx.add.s32.msk $0xffff, v9;
	vm0 =	veq.s32 v7, v20;
	v6 =	vadd.s32 v3, v20  }
0x113: {  	[tilespmem:v8+s22+$0x0] =	vst.idx.add.s32.msk $0xffff, v2;
	v9 =	vsel vm0, $0x10001, v2;
	v7 =	vadd.s32 v3, v21  }
.Ltmp5:
0x114: {  	[tilespmem:v10+s21+$0x0] =	vst.idx.add.s32.msk $0xffff, v14;
	vm0 =	veq.s32 v21, v23;
	v8 =	vadd.s32 v3, v23;
	(pc) =	sbr.rel @p2 .LBB2_8-.Ltmp5, $4  }
0x115: {  	[tilespmem:v11+s22+$0x0] =	vst.idx.add.s32.msk $0xffff, v2;
	v10 =	vsel vm0, $0x10001, v2  }
0x116: {  	[tilespmem:v16+s21+$0x0] =	vst.idx.add.s32.msk $0xffff, v19  }
0x117: {  	[tilespmem:v18+s22+$0x0] =	vst.idx.add.s32.msk $0xffff, v2  }
0x118: {  	[tilespmem:v22+s21+$0x0] =	vst.idx.add.s32.msk $0xffff, v12  }
0x119: {  	_ =	sdelay $0x3  }
0x11a: {  	[tilespmem:v4+s22+$0x0] =	vst.idx.add.s32.msk $0xffff, v2  }
0x11b: {  	[tilespmem:v5+s21+$0x0] =	vst.idx.add.s32.msk $0xffff, v9  }
0x11c: {  	[tilespmem:v7+s21+$0x0] =	vst.idx.add.s32.msk $0xffff, v10  }
0x11d: {  	[tilespmem:v6+s22+$0x0] =	vst.idx.add.s32.msk $0xffff, v2  }
0x11e: {  	[tilespmem:v8+s22+$0x0] =	vst.idx.add.s32.msk $0xffff, v2  }
0x11f: {  	_ =	swait.ge [sflag:s23], $0x4000  }
0x120: {  	s31 =	simm.s32 $0x0;
	[sflag:s23] =	ssyncset.done $0x0  }
0x121: {  	s0 =	simm.s32 $0x0;
	s28 =	simm.s32 $0x0;
	[sflag:s23] =	ssyncadd.s32 $0xFFFFC000  }
0x122: {  	s0 =	sand.u32 $0x3000, s0;
	s1 =	sand.u32 $0xC00, s31;
	_ =	swait.ge [sflag:s24], $0x4000  }
0x123: {  	s25 =	sand.u32 $0x380, s28;
	s0 =	sor.u32 s1, s0;
	[sflag:s24] =	ssyncset.done $0x0  }
0x124: {  	s1 =	sor.u32 s25, s0;
	[sflag:s24] =	ssyncadd.s32 $0xFFFFC000  }
0x125: {  	v4 =	vld [tilespmem:s1+$0x4070]  }
0x126: {  	v5 =	vld [tilespmem:s1+$0xC070]  }
0x127: {  	v6 =	vld [tilespmem:s1+$0x4000]  }
0x128: {  	v7 =	vld [tilespmem:s1+$0xC000]  }
0x129: {  	v8 =	vld [tilespmem:s1+$0x4010]  }
0x12a: {  	v9 =	vld [tilespmem:s1+$0xC010]  }
0x12b: {  	v11 =	vld [tilespmem:s1+$0x4020]  }
0x12c: {  	v13 =	vld [tilespmem:s1+$0xC020]  }
0x12d: {  	v14 =	vld [tilespmem:s1+$0x4030]  }
0x12e: {  	v61 =	vld [tilespmem:s1+$0xC040];
	v10 =	vadd.s32 v3, v4  }
0x12f: {  	v16 =	vld [tilespmem:s1+$0x4050]  }
0x130: {  	v18 =	vld [tilespmem:s1+$0xC050]  }
0x131: {  	v21 =	vld [tilespmem:s1+$0xC060];
	v12 =	vadd.s32 v3, v5;
	vm0 =	veq.s32 v4, v5  }
0x132: {  	s0 =	simm.s32 $0x10000;
	v4 =	vld [tilespmem:s1+$0xC030];
	v17 =	vadd.s32 v3, v8;
	v5 =	vsel vm0, $0x10001, v2  }
0x133: {  	[tilespmem:v10+s0+$0x0] =	vst.idx.add.s32.msk $0xffff, v5;
	v10 =	vadd.s32 v3, v6  }
0x134: {  	v15 =	vadd.s32 v3, v7;
	v20 =	vadd.s32 v3, v11;
	v5 =	vld [tilespmem:s1+$0x4040]  }
0x135: {  	s28 =	simm.s32 $0x10A80;
	vm9 =	veq.s32 v6, v7;
	v7 =	vld [tilespmem:s1+$0x4060];
	vm10 =	veq.s32 v8, v9;
	v8 =	vadd.s32 v3, v13  }
0x136: {  	v6 =	vadd.s32 v3, v9;
	v9 =	vsel vm10, $0x10001, v2;
	[tilespmem:v12+s28+$0x0] =	vst.idx.add.s32.msk $0xffff, v2  }
0x137: {  	vm11 =	veq.s32 v11, v13;
	v19 =	vsel vm9, $0x10001, v2;
	[tilespmem:v17+s0+$0x0] =	vst.idx.add.s32.msk $0xffff, v9  }
0x138: {  	v9 =	vsel vm11, $0x10001, v2;
	[tilespmem:v10+s0+$0x0] =	vst.idx.add.s32.msk $0xffff, v19;
	v10 =	vadd.s32 v3, v14  }
0x139: {  	[tilespmem:v20+s0+$0x0] =	vst.idx.add.s32.msk $0xffff, v9;
	v62 =	vadd.s32 v3, v5  }
0x13a: {  	v11 =	vadd.s32 v3, v4;
	[tilespmem:v8+s28+$0x0] =	vst.idx.add.s32.msk $0xffff, v2  }
0x13b: {  	vm12 =	veq.s32 v14, v4;
	v4 =	vadd.s32 v3, v61;
	[tilespmem:v6+s28+$0x0] =	vst.idx.add.s32.msk $0xffff, v2  }
0x13c: {  	v6 =	vsel vm12, $0x10001, v2;
	vm13 =	veq.s32 v5, v61;
	v5 =	vadd.s32 v3, v16;
	[tilespmem:v15+s28+$0x0] =	vst.idx.add.s32.msk $0xffff, v2  }
0x13d: {  	vm14 =	veq.s32 v16, v18;
	v63 =	vsel vm13, $0x10001, v2;
	[tilespmem:v10+s0+$0x0] =	vst.idx.add.s32.msk $0xffff, v6;
	v6 =	vadd.s32 v3, v18  }
0x13e: {  	vm15 =	veq.s32 v7, v21;
	v7 =	vadd.s32 v3, v7;
	[tilespmem:v62+s0+$0x0] =	vst.idx.add.s32.msk $0xffff, v63  }
0x13f: {  	s29 =	simm.s32 $0x0;
	s1 =	simm.s32 $0x0;
	v9 =	vsel vm14, $0x10001, v2;
	v8 =	vadd.s32 v3, v21;
	v10 =	vsel vm15, $0x10001, v2;
	[tilespmem:v11+s28+$0x0] =	vst.idx.add.s32.msk $0xffff, v2  }
.LBB2_10:
0x140: {  	s29 =	sadd.s32 $0x8, s29;
	[tilespmem:v4+s28+$0x0] =	vst.idx.add.s32.msk $0xffff, v2  }
0x141: {  	s1 =	sadd.s32 $0x400, s1;
	s25 =	sshll.u32 s29, $0x4;
	p2 =	slt.u32 s29, $0x3F8;
	[tilespmem:v5+s0+$0x0] =	vst.idx.add.s32.msk $0xffff, v9  }
0x142: {  	s12 =	sand.u32 $0xC00, s1;
	s13 =	sshll.u32 s29, $0x2;
	s25 =	sand.u32 $0x3000, s25;
	[tilespmem:v6+s28+$0x0] =	vst.idx.add.s32.msk $0xffff, v2  }
0x143: {  	s13 =	sand.u32 $0x380, s13;
	s12 =	sor.u32 s12, s25;
	[tilespmem:v7+s0+$0x0] =	vst.idx.add.s32.msk $0xffff, v10  }
0x144: {  	s12 =	sor.u32 s13, s12;
	[tilespmem:v8+s28+$0x0] =	vst.idx.add.s32.msk $0xffff, v2  }
0x145: {  	v4 =	vld [tilespmem:s12+$0x4070]  }
0x146: {  	v5 =	vld [tilespmem:s12+$0xC070]  }
0x147: {  	v6 =	vld [tilespmem:s12+$0x4000]  }
0x148: {  	v7 =	vld [tilespmem:s12+$0xC000]  }
0x149: {  	v8 =	vld [tilespmem:s12+$0x4010]  }
0x14a: {  	v9 =	vld [tilespmem:s12+$0xC010];
	v10 =	vadd.s32 v3, v4  }
0x14b: {  	v11 =	vld [tilespmem:s12+$0x4020];
	v12 =	vadd.s32 v3, v5  }
0x14c: {  	v13 =	vadd.s32 v3, v6;
	v14 =	vld [tilespmem:s12+$0xC020]  }
0x14d: {  	vm1 =	veq.s32 v4, v5;
	vm0 =	veq.s32 v6, v7;
	v6 =	vadd.s32 v3, v7;
	v7 =	vld [tilespmem:s12+$0x4030]  }
0x14e: {  	v16 =	vsel vm1, $0x10001, v2;
	v4 =	vsel vm0, $0x10001, v2;
	v15 =	vadd.s32 v3, v8;
	v5 =	vld [tilespmem:s12+$0xC030]  }
0x14f: {  	vm0 =	veq.s32 v8, v9;
	v8 =	vadd.s32 v3, v9;
	[tilespmem:v10+s0+$0x0] =	vst.idx.add.s32.msk $0xffff, v16  }
0x150: {  	v9 =	vsel vm0, $0x10001, v2;
	v10 =	vadd.s32 v3, v11;
	[tilespmem:v12+s28+$0x0] =	vst.idx.add.s32.msk $0xffff, v2  }
0x151: {  	vm0 =	veq.s32 v11, v14;
	v11 =	vadd.s32 v3, v14;
	v12 =	vld [tilespmem:s12+$0x4040]  }
0x152: {  	v14 =	vsel vm0, $0x10001, v2;
	v16 =	vadd.s32 v3, v7;
	v17 =	vld [tilespmem:s12+$0xC040]  }
0x153: {  	vm0 =	veq.s32 v7, v5;
	v18 =	vadd.s32 v3, v5;
	v7 =	vld [tilespmem:s12+$0x4050]  }
0x154: {  	v19 =	vsel vm0, $0x10001, v2;
	v20 =	vld [tilespmem:s12+$0xC050]  }
0x155: {  	v21 =	vld [tilespmem:s12+$0x4060]  }
0x156: {  	v22 =	vadd.s32 v3, v12;
	v23 =	vld [tilespmem:s12+$0xC060]  }
0x157: {  	[tilespmem:v13+s0+$0x0] =	vst.idx.add.s32.msk $0xffff, v4;
	vm0 =	veq.s32 v12, v17;
	v4 =	vadd.s32 v3, v17  }
0x158: {  	[tilespmem:v6+s28+$0x0] =	vst.idx.add.s32.msk $0xffff, v2;
	v12 =	vsel vm0, $0x10001, v2;
	v5 =	vadd.s32 v3, v7  }
0x159: {  	[tilespmem:v15+s0+$0x0] =	vst.idx.add.s32.msk $0xffff, v9;
	vm0 =	veq.s32 v7, v20;
	v6 =	vadd.s32 v3, v20  }
0x15a: {  	[tilespmem:v8+s28+$0x0] =	vst.idx.add.s32.msk $0xffff, v2;
	v9 =	vsel vm0, $0x10001, v2;
	v7 =	vadd.s32 v3, v21  }
.Ltmp6:
0x15b: {  	[tilespmem:v10+s0+$0x0] =	vst.idx.add.s32.msk $0xffff, v14;
	vm0 =	veq.s32 v21, v23;
	v8 =	vadd.s32 v3, v23;
	(pc) =	sbr.rel @p2 .LBB2_10-.Ltmp6, $4  }
0x15c: {  	[tilespmem:v11+s28+$0x0] =	vst.idx.add.s32.msk $0xffff, v2;
	v10 =	vsel vm0, $0x10001, v2  }
0x15d: {  	[tilespmem:v16+s0+$0x0] =	vst.idx.add.s32.msk $0xffff, v19  }
0x15e: {  	[tilespmem:v18+s28+$0x0] =	vst.idx.add.s32.msk $0xffff, v2  }
0x15f: {  	[tilespmem:v22+s0+$0x0] =	vst.idx.add.s32.msk $0xffff, v12  }
0x160: {  	_ =	sdelay $0x3  }
0x161: {  	[tilespmem:v4+s28+$0x0] =	vst.idx.add.s32.msk $0xffff, v2  }
0x162: {  	[tilespmem:v5+s0+$0x0] =	vst.idx.add.s32.msk $0xffff, v9  }
0x163: {  	[tilespmem:v7+s0+$0x0] =	vst.idx.add.s32.msk $0xffff, v10  }
0x164: {  	[tilespmem:v6+s28+$0x0] =	vst.idx.add.s32.msk $0xffff, v2  }
0x165: {  	[tilespmem:v8+s28+$0x0] =	vst.idx.add.s32.msk $0xffff, v2  }
.LBB2_12:
0x166: {  	s1 =	sshll.u32 s31, $0x4;
	v6 =	vmov s0  }
0x167: {  	v7 =	vmov s28;
	v5 =	vld [tilespmem:s1+$0x10000];
	_ =	sdelay $0x2  }
0x168: {  	s12 =	simm.s32 $0xA1;
	v4 =	vld [tilespmem:s1+$0x10A80]  }
0x169: {  	v8 =	vld.idx.msk [tilespmem:v6+s12+$0x0 ss:$0x1], $0xffff  }
0x16a: {  	s29 =	simm.s32 $0x508;
	v10 =	vld.idx.msk [tilespmem:v7+s12+$0x0 ss:$0x1], $0xffff;
	v9 =	vand.u32 $0xFFFF, v5;
	v5 =	vshrl.u32 v5, $0x10  }
.LBB2_13:
0x16b: {  	p2 =	sne.s32 s29, $0x25BC  }
.Ltmp7:
0x16c: {  	_ = 	snop;
	(pc) =	sbr.rel @p2 .LBB2_13-.Ltmp7, $4  }
0x16d: {  	_ = 	snop  }
0x16e: {  	s12 =	sshra.s32 s29, $0x2;
	s29 =	sadd.s32 $0x284, s29  }
0x16f: {  	v11 =	vand.u32 $0xFFFF, v8;
	v12 =	vshrl.u32 v8, $0x10;
	v8 =	vld.idx.msk [tilespmem:v6+s12+$0x0 ss:$0x1], $0xffff  }
0x170: {  	v9 =	vadd.s32 v9, v11;
	v5 =	vadd.s32 v5, v12;
	v4 =	vadd.s32 v4, v10;
	v10 =	vld.idx.msk [tilespmem:v7+s12+$0x0 ss:$0x1], $0xffff  }
0x171: {  	_ = 	snop  }
0x172: {  	s31 =	sadd.s32 $0x1, s31  }
0x173: {  	p2 =	sne.s32 s31, $0xA  }
.Ltmp8:
0x174: {  	v6 =	vand.u32 $0xFFFF, v8;
	(pc) =	sbr.rel @p2 .LBB2_12-.Ltmp8, $4  }
0x175: {  	v6 =	vadd.s32 v9, v6  }
0x176: {  	v7 =	vshrl.u32 v8, $0x10;
	v4 =	vadd.s32 v4, v10;
	[tilespmem:s1+$0x11500] =	vst v6  }
0x177: {  	v5 =	vadd.s32 v5, v7;
	[tilespmem:s1+$0x115A0] =	vst v4  }
0x178: {  	s0 =	sadd.s32 $0x10, s0;
	s28 =	sadd.s32 $0x10, s28;
	[tilespmem:s1+$0x11640] =	vst v5  }
0x179: {  	s0 =	simm.s32 $0x11500  }
0x17a: {  	[spmem:s11] =	stream.linear.scatter [tilespmem:s0], [sflag:$0x5], $0x1E0, $0x38;
	[tilespmem:$0x12168] =	vst v63  }
.Ltmp9:
0x17b: {  	_ =	swait.ge [sflag:s26], $0x1E0;
	(pc) =	sbr.rel @!p1 .LBB2_16-.Ltmp9, $3  }
0x17c: {  	[sflag:s26] =	ssyncset.done $0x0  }
0x17d: {  	[sflag:s26] =	ssyncadd.s32 $0xFFFFFE20  }
0x17e: {  	[bflag:$0x0] =	sbarrier.arrive $0xFFFF;
	_ =	sdelay $0x1  }
0x17f: {  	s0 =	rddreg [dreg:$0x6];
	s1 =	simm.s32 $0x118E0  }
0x180: {  	[tilespmem:s1], [sflag:$0x5] =	stream.linear.gather [spmem:s0], $0x780, $0x38;
	[tilespmem:$0x12168] =	vst v63  }
0x181: {  	_ =	swait.ge [sflag:s26], $0x780  }
0x182: {  	[sflag:s26] =	ssyncset.done $0x0  }
0x183: {  	s25 =	simm.s32 $0x11CA0;
	[sflag:s26] =	ssyncadd.s32 $0xFFFFF880  }
0x184: {  	v4 =	vld [tilespmem:s25+$0x1E0]  }
0x185: {  	v5 =	vld [tilespmem:s25+$0x0]  }
0x186: {  	v6 =	vld [tilespmem:s25+$0xFFFFFC40]  }
0x187: {  	v7 =	vld [tilespmem:s25+$0xFFFFFCE0]  }
0x188: {  	v8 =	vld [tilespmem:s25+$0xFFFFFE20]  }
0x189: {  	v9 =	vld [tilespmem:s25+$0xFFFFFEC0]  }
0x18a: {  	v10 =	vld [tilespmem:s25+$0xA0]  }
0x18b: {  	v11 =	vld [tilespmem:s25+$0x280];
	_ =	sdelay $0x1  }
0x18c: {  	v13 =	vld [tilespmem:s25+$0xFFFFFD80]  }
0x18d: {  	s0 =	simm.s32 $0x11CB0;
	v14 =	vld [tilespmem:s25+$0xFFFFFF60];
	v6 =	vadd.s32 v6, v8;
	v7 =	vadd.s32 v7, v9  }
0x18e: {  	v15 =	vld [tilespmem:s0+$0x1E0];
	v5 =	vadd.s32 v6, v5;
	v6 =	vadd.s32 v7, v10  }
0x18f: {  	v17 =	vld [tilespmem:s0+$0xA0];
	v4 =	vadd.s32 v5, v4;
	v5 =	vadd.s32 v6, v11  }
0x190: {  	v7 =	vld [tilespmem:s0+$0xFFFFFCE0];
	v4 =	vcvt.s32.f32 v4;
	v16 =	vcvt.s32.f32 v5  }
0x191: {  	v10 =	vld [tilespmem:s0+$0xFFFFFE20]  }
0x192: {  	s12 =	simm.s32 $0x0;
	v11 =	vld [tilespmem:s0+$0xFFFFFEC0];
	v4 =	vadd.f32 v16, v4  }
0x193: {  	v8 =	vmov s12;
	v5 =	vld [tilespmem:s0+$0xFFFFFC40]  }
0x194: {  	vm0 =	vne.s32 v8, v0;
	v6 =	vld [tilespmem:s0+$0x0];
	vm1 =	vgt.f32 v4, $0.0e+00  }
0x195: {  	v18 =	vld [tilespmem:s0+$0x280];
	vm1 =	vmand vm0, vm1  }
0x196: {  	v12 =	vld [tilespmem:s25+$0x140];
	v4 =	vnsel vm1, $0x3F800000, v4  }
0x197: {  	v19 =	vld [tilespmem:s25+$0x320];
	(erf) = vrcp.f32 v4  }
0x198: {  	v9 =	vld [tilespmem:s0+$0xFFFFFD80];
	v4 =	vadd.s32 v5, v10;
	v5 =	vadd.s32 v7, v11  }
0x199: {  	v8 =	vld [tilespmem:s0+$0x140];
	v4 =	vadd.s32 v4, v6;
	v5 =	vadd.s32 v5, v17;
	v6 =	vadd.s32 v13, v14  }
0x19a: {  	s28 =	simm.s32 $0x11CC0;
	v7 =	vld [tilespmem:s0+$0xFFFFFF60];
	v17 =	vnsel vm0, $0x0, v16;
	v4 =	vadd.s32 v4, v15;
	v5 =	vadd.s32 v5, v18  }
0x19b: {  	v10 =	vld [tilespmem:s28+$0x1E0];
	v6 =	vadd.s32 v6, v12;
	v14 =	vcvt.s32.f32 v4;
	v5 =	vcvt.s32.f32 v5  }
0x19c: {  	s31 =	simm.s32 $0x10;
	v11 =	vld [tilespmem:s28+$0x0];
	v4 =	vimm.f32 $0.0e+00;
	v6 =	vadd.s32 v6, v19;
	v19 =	vadd.f32 v16, v16  }
0x19d: {  	v13 =	vld [tilespmem:s28+$0xFFFFFCE0];
	v18 =	vcvt.s32.f32 v6;
	v6 =	vadd.f32 v17, v4;
	v17 =	vmov s31  }
0x19e: {  	v12 =	vld [tilespmem:s28+$0xFFFFFC40];
	v15 =	vadd.f32 v5, v14  }
0x19f: {  	v16 =	vld [tilespmem:s28+$0xFFFFFE20];
	v14 =	vmul.f32 v18, v19  }
0x1a0: {  	s29 =	simm.s32 $0x30;
	s1 =	simm.s32 $0x20;
	vm0 =	vmmov vm1;
	vm1 =	vne.s32 v17, v0;
	v18 =	vld [tilespmem:s28+$0xFFFFFEC0];
	vm2 =	vgt.f32 v15, $0.0e+00;
	v17 =	vpop (erf)  }
.LBB2_18:
0x1a1: {  	p2 =	sne.s32 s29, $0x90;
	v19 =	vld [tilespmem:s28+$0xA0];
	vm2 =	vmand vm1, vm2;
	v20 =	vnsel vm1, $0x0, v5;
	v14 =	vmul.f32 v17, v14  }
0x1a2: {  	v17 =	vld [tilespmem:s28+$0x280];
	v15 =	vnsel vm2, $0x3F800000, v15;
	v6 =	vadd.f32 v20, v6  }
0x1a3: {  	v20 =	vld [tilespmem:s0+$0x320];
	(erf) = vrcp.f32 v15;
	v14 =	vnsel vm0, $0x0, v14;
	vm0 =	vmmov vm2;
	s0 =	smov.u32 s28  }
0x1a4: {  	v15 =	vld [tilespmem:s28+$0x140];
	v4 =	vadd.f32 v14, v4  }
0x1a5: {  	v12 =	vadd.s32 v12, v16;
	v14 =	vld [tilespmem:s28+$0xFFFFFD80];
	v13 =	vadd.s32 v13, v18  }
0x1a6: {  	v9 =	vadd.s32 v9, v7;
	v11 =	vadd.s32 v12, v11;
	s28 =	sadd.s32 $0x10, s28;
	v12 =	vadd.s32 v13, v19;
	v7 =	vld [tilespmem:s0+$0xFFFFFF60]  }
0x1a7: {  	v9 =	vadd.s32 v9, v8;
	v13 =	vadd.s32 v11, v10;
	v10 =	vld [tilespmem:s28+$0x1E0];
	v12 =	vadd.s32 v12, v17  }
.Ltmp10:
0x1a8: {  	v19 =	vcvt.s32.f32 v13;
	v11 =	vld [tilespmem:s28+$0x0];
	v16 =	vcvt.s32.f32 v12;
	v13 =	vadd.s32 v9, v20;
	(pc) =	sbr.rel @p2 .LBB2_18-.Ltmp10, $4  }
0x1a9: {  	v18 =	vadd.f32 v5, v5;
	v12 =	vld [tilespmem:s28+$0xFFFFFC40];
	v20 =	vcvt.s32.f32 v13;
	v8 =	vmov v15  }
0x1aa: {  	v13 =	vld [tilespmem:s28+$0xFFFFFCE0];
	v15 =	vadd.f32 v16, v19;
	v9 =	vmov v14;
	v5 =	vmov v16  }
0x1ab: {  	v19 =	vmov s1;
	s1 =	smov.u32 s29;
	v16 =	vld [tilespmem:s28+$0xFFFFFE20];
	v14 =	vmul.f32 v20, v18  }
0x1ac: {  	s29 =	sadd.s32 $0x10, s29;
	vm1 =	vne.s32 v19, v0;
	v18 =	vld [tilespmem:s28+$0xFFFFFEC0];
	vm2 =	vgt.f32 v15, $0.0e+00;
	v17 =	vpop (erf)  }
0x1ad: {  	v19 =	vld [tilespmem:s28+$0xA0]  }
0x1ae: {  	v20 =	vld [tilespmem:s28+$0x280];
	_ =	sdelay $0x2  }
0x1af: {  	v12 =	vadd.s32 v12, v16;
	v13 =	vadd.s32 v13, v18  }
0x1b0: {  	v11 =	vadd.s32 v12, v11;
	v48 =	vadd.s32 v13, v19  }
0x1b1: {  	v10 =	vadd.s32 v11, v10;
	v49 =	vadd.s32 v48, v20  }
0x1b2: {  	v10 =	vcvt.s32.f32 v10;
	v11 =	vcvt.s32.f32 v49;
	_ =	sdelay $0x1  }
0x1b3: {  	v10 =	vadd.f32 v11, v10  }
0x1b4: {  	vm3 =	vmand vm1, vm2;
	v50 =	vld [tilespmem:s0+$0x320];
	v51 =	vmov s1  }
0x1b5: {  	v52 =	vld [tilespmem:s28+$0xFFFFFD80];
	v15 =	vnsel vm3, $0x3F800000, v15;
	vm13 =	vne.s32 v51, v0;
	vm4 =	vgt.f32 v10, $0.0e+00  }
0x1b6: {  	v53 =	vld [tilespmem:s28+$0xFFFFFF60];
	(erf) = vrcp.f32 v15;
	vm4 =	vmand vm13, vm4  }
0x1b7: {  	v54 =	vld [tilespmem:s28+$0x140];
	v10 =	vnsel vm4, $0x3F800000, v10  }
0x1b8: {  	v55 =	vld [tilespmem:s28+$0x320];
	(erf) = vrcp.f32 v10  }
0x1b9: {  	v7 =	vadd.s32 v9, v7  }
0x1ba: {  	v7 =	vadd.s32 v7, v8  }
0x1bb: {  	v7 =	vadd.s32 v7, v50;
	v56 =	vadd.s32 v52, v53  }
0x1bc: {  	v57 =	vadd.f32 v5, v5;
	v7 =	vcvt.s32.f32 v7;
	v8 =	vadd.s32 v56, v54  }
0x1bd: {  	v58 =	vmul.f32 v17, v14;
	v8 =	vadd.s32 v8, v55  }
0x1be: {  	v7 =	vmul.f32 v7, v57;
	v8 =	vcvt.s32.f32 v8;
	v59 =	vadd.f32 v11, v11  }
0x1bf: {  	v60 =	vpop (erf)  }
0x1c0: {  	v12 =	vnsel vm0, $0x0, v58;
	v8 =	vmul.f32 v8, v59;
	v7 =	vmul.f32 v60, v7  }
0x1c1: {  	vm14 =	vmmov vm3;
	v4 =	vadd.f32 v12, v4;
	v61 =	vpop (erf)  }
0x1c2: {  	v7 =	vnsel vm14, $0x0, v7;
	v8 =	vmul.f32 v61, v8  }
0x1c3: {  	v5 =	vnsel vm1, $0x0, v5;
	vm15 =	vmmov vm4;
	v4 =	vadd.f32 v7, v4  }
0x1c4: {  	v5 =	vadd.f32 v5, v6;
	v62 =	vnsel vm15, $0x0, v8  }
0x1c5: {  	v63 =	vnsel vm13, $0x0, v11;
	v4 =	vadd.f32 v62, v4  }
0x1c6: {  	v5 =	vadd.f32 v63, v5  }
0x1c7: {  	(xrf2) =	vadd.scan.msk.f32 $0xffff, v4  }
0x1c8: {  	(xrf2) =	vadd.scan.msk.f32 $0xffff, v5;
	_ =	sdelay $0x8  }
0x1c9: {  	v4, _, _ =	vpop (xrf2)  }
0x1ca: {  	v5, _, _ =	vpop (xrf2)  }
0x1cb: {  	v5 =	vmul.f32 $8.000000000e+00, v5;
	_ =	sdelay $0x1  }
0x1cc: {  	v5 =	vbroadcast v5, $0xF;
	_ =	sdelay $0x1  }
0x1cd: {  	(erf) = vrcp.f32 v5;
	_ =	sdelay $0x7  }
0x1ce: {  	v4 =	vbroadcast v4, $0xF  }
0x1cf: {  	v5 =	vpop (erf)  }
0x1d0: {  	v4 =	vmul.f32 v5, v4;
	_ =	sdelay $0x1  }
0x1d1: {  	s29 =	rddreg [dreg:$0x7];
	s31 =	simm.s32 $0x120E8;
	[tilespmem:$0x120E8] =	vst v4  }
0x1d2: {  	[spmem:s29] =	stream.linear.scatter [tilespmem:s31], [sflag:$0x5], $0x10, $0x38;
	[tilespmem:$0x12168] =	vst v63  }
0x1d3: {  	_ =	swait.ge [sflag:s26], $0x10  }
0x1d4: {  	[sflag:s26] =	ssyncset.done $0x0  }
0x1d5: {  	[sflag:s26] =	ssyncadd.s32 $0xFFFFFFF0  }
0x1d6: {  	[bflag:$0x0] =	sbarrier.arrive $0xFFFF  }
0x1d7: {  	s0 =	simm.s32 @!p0 $0x12068;
	s1 =	rddreg [dreg:$0x4]  }
0x1d8: {  	[tilespmem:s0], [sflag:$0x5] =	stream.linear.gather @!p0 [spmem:s1], $0x80, $0x38;
	[tilespmem:$0x12168] =	vst v63  }
0x1d9: {  	s0 =	simm.s32 @!p0 $0x5  }
0x1da: {  	_ =	swait.ge @!p0 [sflag:s0], $0x80  }
0x1db: {  	[sflag:s0] =	ssyncset.done @!p0 $0x0  }
0x1dc: {  	[sflag:s0] =	ssyncadd.s32 @!p0 $0xFFFFFF80  }
0x1dd: {  	v4 =	vld @!p0 [tilespmem:$0x12068]  }
0x1de: {  	v5 =	vld @!p0 [tilespmem:$0x12078];
	_ =	sdelay $0x1  }
0x1df: {  	v6 =	vld @!p0 [tilespmem:$0x12088];
	_ =	sdelay $0x1  }
0x1e0: {  	v7 =	vld @!p0 [tilespmem:$0x12098]  }
0x1e1: {  	v4 =	vadd.f32 @!p0 v5, v4;
	_ =	sdelay $0x1  }
0x1e2: {  	v4 =	vadd.f32 @!p0 v6, v4;
	_ =	sdelay $0x1  }
0x1e3: {  	v4 =	vadd.f32 @!p0 v7, v4;
	_ =	sdelay $0x1  }
.Ltmp11:
0x1e4: {  	s12 =	simm.s32 @!p0 $0x120E8;
	s1 =	simm.s32 @!p0 $0x0;
	[tilespmem:$0x120E8] =	vst @!p0 v4;
	(pc) =	sbr.rel .LBB2_20-.Ltmp11, $4  }
0x1e5: {  	[hbm4b:s14+s1] =	stream.linear.scatter @!p0 [tilespmem:s12], [sflag:$0x5], $0x10, $0x38;
	[tilespmem:$0x12168] =	vst v63  }
0x1e6: {  	_ =	swait.ge @!p0 [sflag:s0], $0x10  }
0x1e7: {  	[sflag:s0] =	ssyncset.done @!p0 $0x0  }
0x1e8: {  	[sflag:s0] =	ssyncadd.s32 @!p0 $0xFFFFFFF0  }
.LBB2_21:
0x1e9: {  	_ =	sfence.sel $0x180000  }
0x1ea: {  	[bflag:$0x0] =	sbarrier.arrive $0xFFFF  }
0x1eb: {  	_ =	strace $0x90000047  }
0x1ec: {  	[bflag:$0x2] =	sbarrier.arrive $0xFFFF  }
0x1ed: {  	s0 =	rddreg [dreg:$0x5]  }
0x1ee: {  	s0 =	sadd.s32 @!p0 $0x100000, s0  }
0x1ef: {  	[sflag:s0] =	ssyncadd.tile.s32 @!p0 $0x1;
	_ =	shalt  }
.Lfunc_end2:
_tile_overlayer_lowered:
.L_overlay_start_2:
0x1f0: {  	(tag) =	ssettag $0x2  }
0x1f1: {  	s0 =	rddreg [dreg:$0x0];
	s2 =	stileid.u32  }
0x1f2: {  	s1 =	rddreg [dreg:$0x1];
	p0 =	sne.s32 s2, $0x0  }
0x1f3: {  	s3 =	rddreg [dreg:$0x2];
	[bflag:$0x3] =	sbarrier.arrive $0xFFFF;
	s2 =	simm.s32 @!p0 $0x1C05  }
0x1f4: {  	[timem:s3], [sflag:s2] =	dma.local @!p0 [hbm:s0], s1  }
0x1f5: {  	s0 =	simm.s32 @!p0 $0x5  }
0x1f6: {  	_ =	swait.ge @!p0 [sflag:s0], s1  }
0x1f7: {  	s1 =	ssub.s32 @!p0 $0x0, s1;
	[sflag:s0] =	ssyncset.done @!p0 $0x0  }
0x1f8: {  	[sflag:s0] =	ssyncadd.s32 @!p0 s1  }
0x1f9: {  	[bflag:$0x3] =	sbarrier.arrive $0xFFFF  }
0x1fa: {  	_ =	shalt  }

</sc_bundles>
